<compile_context>
chip_gen: v7x
topology: tpu7x:2x2x1
jax: 0.10.2.dev20260603
libtpu: 0.0.44.dev20260713+nightly
codegen_flags: <defaults>
</compile_context>

<pallas_src>
import jax
import jax.numpy as jnp
from jax.experimental import pallas as pl
from jax.experimental.pallas import tpu as pltpu
from jax.experimental.pallas import tpu_sc as plsc

VOCAB = 50
POS_DIM = 64
WINDOW = 128


def _sc_gather(slab_table, idx_flat, n_pairs):
    mesh = plsc.VectorSubcoreMesh(core_axis_name="core", subcore_axis_name="subcore")

    @pl.kernel(
        out_type=jax.ShapeDtypeStruct((n_pairs, 2, 2 * POS_DIM), slab_table.dtype),
        mesh=mesh,
        scratch_types=[pltpu.SemaphoreType.DMA, pltpu.SemaphoreType.DMA],
    )
    def gather_kernel(table_hbm, idx_hbm, out_hbm, sem_a, sem_b):
        half = WINDOW // 2

        def body(idx_vmem, out_vmem):
            h1 = pltpu.async_copy(
                table_hbm.at[idx_vmem.at[0, pl.ds(0, half)]],
                out_vmem.at[pl.ds(0, half)],
                sem_a,
            )
            h2 = pltpu.async_copy(
                table_hbm.at[idx_vmem.at[0, pl.ds(half, half)]],
                out_vmem.at[pl.ds(half, half)],
                sem_b,
            )
            h1.wait()
            h2.wait()

        pltpu.emit_pipeline(
            body,
            grid=(n_pairs // WINDOW,),
            in_specs=[pl.BlockSpec((1, WINDOW), index_map=lambda i: (0, i))],
            out_specs=[
                pl.BlockSpec(
                    (WINDOW, 2, 2 * POS_DIM), index_map=lambda i: (i, 0, 0)
                )
            ],
            core_axis_name=("core", "subcore"),
            dimension_semantics=(pltpu.PARALLEL,),
        )(idx_hbm, out_hbm)

    return gather_kernel(slab_table, idx_flat)


def kernel(indices, table):
    batch, seq_len = indices.shape
    n_pairs = batch * seq_len // 2

    rep = jnp.concatenate([table, table], axis=1)
    slab_table = jnp.stack(
        [
            jnp.broadcast_to(rep[:, None, :], (VOCAB, VOCAB, 2 * POS_DIM)),
            jnp.broadcast_to(rep[None, :, :], (VOCAB, VOCAB, 2 * POS_DIM)),
        ],
        axis=2,
    ).reshape(VOCAB * VOCAB, 2, 2 * POS_DIM)

    slab_table = jnp.tile(slab_table, (8, 1, 1))
    idx = indices.astype(jnp.int32)
    pair_idx = (idx[:, 0::2] * VOCAB + idx[:, 1::2]).reshape(1, n_pairs)
    offs = (jax.lax.iota(jnp.int32, n_pairs) & 7).reshape(1, n_pairs)
    pair_idx = pair_idx + (VOCAB * VOCAB) * offs

    wide = _sc_gather(slab_table, pair_idx, n_pairs)
    return wide.reshape(batch, seq_len, 2 * POS_DIM)[:, :, :POS_DIM]

# --- scband reference (transcript-rebuilt; emitter-appended) ---
"""Pipeline reference for scband-pos2-vec-24034636988951 (READ-ONLY COPY).

The authoritative reference and input builder live on the scoring server;
editing this copy changes nothing except your own understanding.
"""

import jax, jax.numpy as jnp
import numpy as np

VOCAB = 50
POS_DIM = 64
BATCH = 4096
SEQ_LEN = 200

def setup_inputs(seed: int = 0) -> dict:
    key = jax.random.key(seed)
    k1, k2 = jax.random.split(key)
    # Padded index tensor [batch, seq_len]; stands in for the pos-tag -> idx
    # mapping + pad_sequence(...).T done in the torch forward.
    indices = jax.random.randint(k1, (BATCH, SEQ_LEN), 0, VOCAB, dtype=jnp.int64)
    # nn.Embedding weight: N(0, 1) init, shape [num_embeddings, embedding_dim]
    table = jax.random.normal(k2, (VOCAB, POS_DIM), dtype=jnp.float32)
    return {"indices": indices, "table": table}

def reference(indices, table):
    # self.pos2vec(pad_sequence(indices).T) -> embedding gather
    # output: [batch_size, sentence_length, pos_dim]
    return jnp.take(table, indices, axis=0)

if __name__ == "__main__":
    import jax
    _d = setup_inputs()
    print(jax.jit(kernel)(*tuple(_d.values())))

</pallas_src>

<mosaic_0001>
#map = affine_map<(d0, d1) -> (0, 0, 0)>
#map1 = affine_map<(d0, d1) -> (0, 0)>
module attributes {stable_mosaic.version = 14 : i64} {
  func.func @gather_kernel(%arg0: i32, %arg1: i32, %arg2: memref<20000x2x128xf32, #tpu.memory_space<hbm>>, %arg3: memref<1x409600xi32, #tpu.memory_space<hbm>>, %arg4: memref<409600x2x128xf32, #tpu.memory_space<hbm>>, %arg5: memref<!tpu.dma_semaphore, #tpu.memory_space<semaphore_mem>>, %arg6: memref<!tpu.dma_semaphore, #tpu.memory_space<semaphore_mem>>) attributes {dimension_semantics = [#tpu.dimension_semantics<core_parallel>, #tpu.dimension_semantics<subcore_parallel>], iteration_bounds = array<i64: 2, 16>, scalar_prefetch = 0 : i64, scratch_operands = 2 : i64, tpu.core_type = #tpu.core_type<sc_vector_subcore>, window_params = [{transform_indices = #map}, {transform_indices = #map1}, {transform_indices = #map}]} {
    %mul3A = arith.constant 1 : i32
    %mul3A_0 = arith.muli %arg1, %mul3A : i32
    %add3A = arith.constant 0 : i32
    %add3A_1 = arith.addi %add3A, %mul3A_0 : i32
    %mul3A_2 = arith.constant 16 : i32
    %mul3A_3 = arith.muli %arg0, %mul3A_2 : i32
    %add3A_4 = arith.addi %add3A_1, %mul3A_3 : i32
    %mul3A_5 = arith.constant 100 : i32
    %mul3A_6 = arith.muli %add3A_4, %mul3A_5 : i32
    "tpu.region"() ({
      %run_scoped3A = memref.alloca() : memref<2x1x128xi32, #tpu.memory_space<vmem>>
      %run_scoped3A_7 = tpu.sem_alloc : memref<2x!tpu.dma_semaphore, #tpu.memory_space<semaphore_mem>>
      %run_scoped3A_8 = memref.alloca() : memref<2x128x2x128xf32, #tpu.memory_space<vmem>>
      %run_scoped3A_9 = tpu.sem_alloc : memref<2x!tpu.dma_semaphore, #tpu.memory_space<semaphore_mem>>
      %add3A_10 = arith.constant 0 : i32
      %add3A_11 = arith.addi %add3A_10, %mul3A_6 : i32
      %select_n3A = arith.constant true
      %select_n3A_12 = arith.constant 0 : i32
      %select_n3A_13 = arith.constant -1 : i32
      %select_n3A_14 = arith.select %select_n3A, %select_n3A_13, %select_n3A_12 : i32
      %eq3A = arith.constant -1 : i32
      %eq3A_15 = arith.cmpi eq, %select_n3A_14, %eq3A : i32
      %select_n3A_16 = arith.constant 99 : i32
      %select_n3A_17 = arith.select %eq3A_15, %select_n3A_16, %select_n3A_14 : i32
      %add3A_18 = arith.addi %select_n3A_17, %mul3A_6 : i32
      %select_n3A_19 = arith.constant true
      %select_n3A_20 = arith.constant 0 : i32
      %select_n3A_21 = arith.constant 1 : i32
      %select_n3A_22 = arith.select %select_n3A_19, %select_n3A_21, %select_n3A_20 : i32
      %eq3A_23 = arith.constant 100 : i32
      %eq3A_24 = arith.cmpi eq, %select_n3A_22, %eq3A_23 : i32
      %select_n3A_25 = arith.constant 0 : i32
      %select_n3A_26 = arith.select %eq3A_24, %select_n3A_25, %select_n3A_22 : i32
      %add3A_27 = arith.addi %select_n3A_26, %mul3A_6 : i32
      %add3A_28 = arith.constant 1 : i32
      %add3A_29 = arith.addi %select_n3A_26, %add3A_28 : i32
      %select_n3A_30 = arith.constant true
      %select_n3A_31 = arith.select %select_n3A_30, %add3A_29, %select_n3A_26 : i32
      %eq3A_32 = arith.constant 100 : i32
      %eq3A_33 = arith.cmpi eq, %select_n3A_31, %eq3A_32 : i32
      %select_n3A_34 = arith.constant 0 : i32
      %select_n3A_35 = arith.select %eq3A_33, %select_n3A_34, %select_n3A_31 : i32
      %add3A_36 = arith.addi %select_n3A_35, %mul3A_6 : i32
      "tpu.trace_start"() <{level = 10 : i32, message = "ep_initialize_0"}> : () -> ()
      %rem3A = arith.constant 0 : i32
      %rem3A_37 = arith.constant 2 : i32
      %rem3A_38 = arith.remui %rem3A, %rem3A_37 : i32
      %mul3A_39 = arith.constant 128 : i32
      %mul3A_40 = arith.muli %mul3A_39, %add3A_11 : i32
      %dma_start3A = arith.constant 0 : i32
      %dma_start3A_41 = arith.constant 0 : i32
      %dma_start3A_42 = tpu.memref_slice %run_scoped3A[%rem3A_38, %dma_start3A, %dma_start3A_41] : memref<2x1x128xi32, #tpu.memory_space<vmem>> -> memref<1x1x128xi32, #tpu.memory_space<vmem>>
      %dma_start3A_43 = tpu.memref_squeeze %dma_start3A_42 : memref<1x1x128xi32, #tpu.memory_space<vmem>> -> memref<1x128xi32, #tpu.memory_space<vmem>>
      %dma_start3A_44 = arith.constant 0 : i32
      %dma_start3A_45 = tpu.memref_slice %arg3[%dma_start3A_44, %mul3A_40] : memref<1x409600xi32, #tpu.memory_space<hbm>> -> memref<1x128xi32, #tpu.memory_space<hbm>>
      %dma_start3A_46 = tpu.memref_slice %run_scoped3A_7[%rem3A_38] : memref<2x!tpu.dma_semaphore, #tpu.memory_space<semaphore_mem>> -> memref<1x!tpu.dma_semaphore, #tpu.memory_space<semaphore_mem>>
      %dma_start3A_47 = tpu.memref_squeeze %dma_start3A_46 : memref<1x!tpu.dma_semaphore, #tpu.memory_space<semaphore_mem>> -> memref<!tpu.dma_semaphore, #tpu.memory_space<semaphore_mem>>
      %dma_start3A_48 = arith.constant 0 : i32
      %dma_start3A_49 = arith.constant 0 : i32
      %dma_start3A_50 = tpu.memref_slice %run_scoped3A[%rem3A_38, %dma_start3A_48, %dma_start3A_49] : memref<2x1x128xi32, #tpu.memory_space<vmem>> -> memref<1x1x128xi32, #tpu.memory_space<vmem>>
      %dma_start3A_51 = tpu.memref_squeeze %dma_start3A_50 : memref<1x1x128xi32, #tpu.memory_space<vmem>> -> memref<1x128xi32, #tpu.memory_space<vmem>>
      %dma_start3A_52 = arith.constant 0 : i32
      %dma_start3A_53 = tpu.memref_slice %arg3[%dma_start3A_52, %mul3A_40] : memref<1x409600xi32, #tpu.memory_space<hbm>> -> memref<1x128xi32, #tpu.memory_space<hbm>>
      tpu.enqueue_dma source(%dma_start3A_53 : memref<1x128xi32, #tpu.memory_space<hbm>>) target(%dma_start3A_51 : memref<1x128xi32, #tpu.memory_space<vmem>>) target_semaphore(%dma_start3A_47 : memref<!tpu.dma_semaphore, #tpu.memory_space<semaphore_mem>>)
      %add3A_54 = arith.constant 0 : i32
      %add3A_55 = arith.constant 1 : i32
      %add3A_56 = arith.addi %add3A_54, %add3A_55 : i32
      %select_n3A_57 = arith.constant true
      %select_n3A_58 = arith.constant 0 : i32
      %select_n3A_59 = arith.select %select_n3A_57, %add3A_56, %select_n3A_58 : i32
      "tpu.trace_stop"() : () -> ()
      %scan3A = arith.constant 0 : i32
      %scan3A_60 = arith.constant 0 : i32
      %scan3A_61 = arith.constant 0 : i32
      %scan3A_62 = arith.constant 0 : i32
      %scan3A_63 = arith.constant 0 : i32
      %scan3A_64 = arith.constant 100 : i32
      %scan3A_65 = arith.addi %scan3A_63, %scan3A_64 : i32
      %scan3A_66 = arith.constant 1 : i32
      %scan3A_67:5 = scf.for %scan3A_125 = %scan3A_63 to %scan3A_65 step %scan3A_66 iter_args(%scan3A_126 = %select_n3A_59, %scan3A_127 = %scan3A, %scan3A_128 = %scan3A_60, %scan3A_129 = %scan3A_61, %scan3A_130 = %scan3A_62) -> (i32, i32, i32, i32, i32)  : i32 {
        %eq3A_131 = arith.constant 0 : i32
        %eq3A_132 = arith.cmpi eq, %scan3A_125, %eq3A_131 : i32
        %eq3A_133 = arith.constant 99 : i32
        %eq3A_134 = arith.cmpi eq, %scan3A_125, %eq3A_133 : i32
        %add3A_135 = arith.addi %scan3A_130, %mul3A_6 : i32
        %sub3A_136 = arith.constant 1 : i32
        %sub3A_137 = arith.subi %scan3A_130, %sub3A_136 : i32
        %select_n3A_138 = arith.constant true
        %select_n3A_139 = arith.select %select_n3A_138, %sub3A_137, %scan3A_130 : i32
        %eq3A_140 = arith.constant -1 : i32
        %eq3A_141 = arith.cmpi eq, %select_n3A_139, %eq3A_140 : i32
        %select_n3A_142 = arith.constant 99 : i32
        %select_n3A_143 = arith.select %eq3A_141, %select_n3A_142, %select_n3A_139 : i32
        %add3A_144 = arith.addi %select_n3A_143, %mul3A_6 : i32
        %add3A_145 = arith.constant 1 : i32
        %add3A_146 = arith.addi %scan3A_130, %add3A_145 : i32
        %select_n3A_147 = arith.constant true
        %select_n3A_148 = arith.select %select_n3A_147, %add3A_146, %scan3A_130 : i32
        %eq3A_149 = arith.constant 100 : i32
        %eq3A_150 = arith.cmpi eq, %select_n3A_148, %eq3A_149 : i32
        %select_n3A_151 = arith.constant 0 : i32
        %select_n3A_152 = arith.select %eq3A_150, %select_n3A_151, %select_n3A_148 : i32
        %add3A_153 = arith.addi %select_n3A_152, %mul3A_6 : i32
        %add3A_154 = arith.constant 1 : i32
        %add3A_155 = arith.addi %select_n3A_152, %add3A_154 : i32
        %select_n3A_156 = arith.constant true
        %select_n3A_157 = arith.select %select_n3A_156, %add3A_155, %select_n3A_152 : i32
        %eq3A_158 = arith.constant 100 : i32
        %eq3A_159 = arith.cmpi eq, %select_n3A_157, %eq3A_158 : i32
        %select_n3A_160 = arith.constant 0 : i32
        %select_n3A_161 = arith.select %eq3A_159, %select_n3A_160, %select_n3A_157 : i32
        %add3A_162 = arith.addi %select_n3A_161, %mul3A_6 : i32
        %ne3A = arith.cmpi ne, %add3A_135, %add3A_153 : i32
        %or3A = arith.constant false
        %or3A_163 = arith.ori %or3A, %ne3A : i1
        %ge3A = arith.constant 99 : i32
        %ge3A_164 = arith.cmpi sge, %scan3A_125, %ge3A : i32
        %not3A = arith.constant true
        %not3A_165 = arith.xori %ge3A_164, %not3A : i1
        %and3A = arith.andi %or3A_163, %not3A_165 : i1
        %convert_element_type3A = arith.extui %and3A : i1 to i32
        %cond3A = arith.constant 0 : i32
        %cond3A_166 = arith.cmpi ne, %convert_element_type3A, %cond3A : i32
        scf.if %cond3A_166 {
          "tpu.trace_start"() <{level = 10 : i32, message = "ep_copy_in"}> : () -> ()
          %rem3A_359 = arith.constant 2 : i32
          %rem3A_360 = arith.remui %scan3A_126, %rem3A_359 : i32
          %mul3A_361 = arith.constant 128 : i32
          %mul3A_362 = arith.muli %mul3A_361, %add3A_153 : i32
          %dma_start3A_363 = arith.constant 0 : i32
          %dma_start3A_364 = arith.constant 0 : i32
          %dma_start3A_365 = tpu.memref_slice %run_scoped3A[%rem3A_360, %dma_start3A_363, %dma_start3A_364] : memref<2x1x128xi32, #tpu.memory_space<vmem>> -> memref<1x1x128xi32, #tpu.memory_space<vmem>>
          %dma_start3A_366 = tpu.memref_squeeze %dma_start3A_365 : memref<1x1x128xi32, #tpu.memory_space<vmem>> -> memref<1x128xi32, #tpu.memory_space<vmem>>
          %dma_start3A_367 = arith.constant 0 : i32
          %dma_start3A_368 = tpu.memref_slice %arg3[%dma_start3A_367, %mul3A_362] : memref<1x409600xi32, #tpu.memory_space<hbm>> -> memref<1x128xi32, #tpu.memory_space<hbm>>
          %dma_start3A_369 = tpu.memref_slice %run_scoped3A_7[%rem3A_360] : memref<2x!tpu.dma_semaphore, #tpu.memory_space<semaphore_mem>> -> memref<1x!tpu.dma_semaphore, #tpu.memory_space<semaphore_mem>>
          %dma_start3A_370 = tpu.memref_squeeze %dma_start3A_369 : memref<1x!tpu.dma_semaphore, #tpu.memory_space<semaphore_mem>> -> memref<!tpu.dma_semaphore, #tpu.memory_space<semaphore_mem>>
          %dma_start3A_371 = arith.constant 0 : i32
          %dma_start3A_372 = arith.constant 0 : i32
          %dma_start3A_373 = tpu.memref_slice %run_scoped3A[%rem3A_360, %dma_start3A_371, %dma_start3A_372] : memref<2x1x128xi32, #tpu.memory_space<vmem>> -> memref<1x1x128xi32, #tpu.memory_space<vmem>>
          %dma_start3A_374 = tpu.memref_squeeze %dma_start3A_373 : memref<1x1x128xi32, #tpu.memory_space<vmem>> -> memref<1x128xi32, #tpu.memory_space<vmem>>
          %dma_start3A_375 = arith.constant 0 : i32
          %dma_start3A_376 = tpu.memref_slice %arg3[%dma_start3A_375, %mul3A_362] : memref<1x409600xi32, #tpu.memory_space<hbm>> -> memref<1x128xi32, #tpu.memory_space<hbm>>
          tpu.enqueue_dma source(%dma_start3A_376 : memref<1x128xi32, #tpu.memory_space<hbm>>) target(%dma_start3A_374 : memref<1x128xi32, #tpu.memory_space<vmem>>) target_semaphore(%dma_start3A_370 : memref<!tpu.dma_semaphore, #tpu.memory_space<semaphore_mem>>)
          "tpu.trace_stop"() : () -> ()
        } else {
        }
        %and3A_167 = arith.constant true
        %and3A_168 = arith.andi %and3A, %and3A_167 : i1
        %add3A_169 = arith.constant 1 : i32
        %add3A_170 = arith.addi %scan3A_126, %add3A_169 : i32
        %select_n3A_171 = arith.select %and3A_168, %add3A_170, %scan3A_126 : i32
        %ne3A_172 = arith.cmpi ne, %add3A_135, %add3A_153 : i32
        %or3A_173 = arith.constant false
        %or3A_174 = arith.ori %or3A_173, %ne3A_172 : i1
        %or3A_175 = arith.constant false
        %or3A_176 = arith.ori %or3A_174, %or3A_175 : i1
        %or3A_177 = arith.constant false
        %or3A_178 = arith.ori %or3A_176, %or3A_177 : i1
        %ge3A_179 = arith.constant 99 : i32
        %ge3A_180 = arith.cmpi sge, %scan3A_125, %ge3A_179 : i32
        %not3A_181 = arith.constant true
        %not3A_182 = arith.xori %ge3A_180, %not3A_181 : i1
        %and3A_183 = arith.andi %or3A_178, %not3A_182 : i1
        %ne3A_184 = arith.cmpi ne, %add3A_135, %add3A_144 : i32
        %or3A_185 = arith.constant false
        %or3A_186 = arith.ori %or3A_185, %ne3A_184 : i1
        %or3A_187 = arith.ori %or3A_186, %eq3A_132 : i1
        %convert_element_type3A_188 = arith.extui %or3A_187 : i1 to i32
        %cond3A_189 = arith.constant 0 : i32
        %cond3A_190 = arith.cmpi ne, %convert_element_type3A_188, %cond3A_189 : i32
        scf.if %cond3A_190 {
          "tpu.trace_start"() <{level = 10 : i32, message = "ep_wait_in"}> : () -> ()
          %mul3A_359 = arith.constant 128 : i32
          %mul3A_360 = arith.muli %mul3A_359, %add3A_135 : i32
          %rem3A_361 = arith.constant 2 : i32
          %rem3A_362 = arith.remui %scan3A_127, %rem3A_361 : i32
          %dma_wait3A_363 = arith.constant 0 : i32
          %dma_wait3A_364 = arith.constant 0 : i32
          %dma_wait3A_365 = tpu.memref_slice %run_scoped3A[%rem3A_362, %dma_wait3A_363, %dma_wait3A_364] : memref<2x1x128xi32, #tpu.memory_space<vmem>> -> memref<1x1x128xi32, #tpu.memory_space<vmem>>
          %dma_wait3A_366 = tpu.memref_squeeze %dma_wait3A_365 : memref<1x1x128xi32, #tpu.memory_space<vmem>> -> memref<1x128xi32, #tpu.memory_space<vmem>>
          %dma_wait3A_367 = arith.constant 0 : i32
          %dma_wait3A_368 = tpu.memref_slice %arg3[%dma_wait3A_367, %mul3A_360] : memref<1x409600xi32, #tpu.memory_space<hbm>> -> memref<1x128xi32, #tpu.memory_space<hbm>>
          %dma_wait3A_369 = tpu.memref_slice %run_scoped3A_7[%rem3A_362] : memref<2x!tpu.dma_semaphore, #tpu.memory_space<semaphore_mem>> -> memref<1x!tpu.dma_semaphore, #tpu.memory_space<semaphore_mem>>
          %dma_wait3A_370 = tpu.memref_squeeze %dma_wait3A_369 : memref<1x!tpu.dma_semaphore, #tpu.memory_space<semaphore_mem>> -> memref<!tpu.dma_semaphore, #tpu.memory_space<semaphore_mem>>
          %dma_wait3A_371 = arith.constant 0 : i32
          %dma_wait3A_372 = arith.constant 0 : i32
          %dma_wait3A_373 = tpu.memref_slice %run_scoped3A[%rem3A_362, %dma_wait3A_371, %dma_wait3A_372] : memref<2x1x128xi32, #tpu.memory_space<vmem>> -> memref<1x1x128xi32, #tpu.memory_space<vmem>>
          %dma_wait3A_374 = tpu.memref_squeeze %dma_wait3A_373 : memref<1x1x128xi32, #tpu.memory_space<vmem>> -> memref<1x128xi32, #tpu.memory_space<vmem>>
          %dma_wait3A_375 = arith.constant 0 : i32
          %dma_wait3A_376 = tpu.memref_slice %arg3[%dma_wait3A_375, %mul3A_360] : memref<1x409600xi32, #tpu.memory_space<hbm>> -> memref<1x128xi32, #tpu.memory_space<hbm>>
          tpu.wait_dma2 semaphore(%dma_wait3A_370 : memref<!tpu.dma_semaphore, #tpu.memory_space<semaphore_mem>>) src(%dma_wait3A_376 : memref<1x128xi32, #tpu.memory_space<hbm>>) dst(%dma_wait3A_374 : memref<1x128xi32, #tpu.memory_space<vmem>>)
          "tpu.trace_stop"() : () -> ()
        } else {
        }
        %ne3A_191 = arith.cmpi ne, %add3A_135, %add3A_144 : i32
        %or3A_192 = arith.constant false
        %or3A_193 = arith.ori %or3A_192, %ne3A_191 : i1
        %or3A_194 = arith.constant false
        %or3A_195 = arith.ori %or3A_193, %or3A_194 : i1
        %or3A_196 = arith.constant false
        %or3A_197 = arith.ori %or3A_195, %or3A_196 : i1
        %or3A_198 = arith.ori %or3A_197, %eq3A_132 : i1
        %convert_element_type3A_199 = arith.extui %or3A_198 : i1 to i32
        %cond3A_200 = arith.constant 0 : i32
        %cond3A_201 = arith.cmpi ne, %convert_element_type3A_199, %cond3A_200 : i32
        scf.if %cond3A_201 {
        } else {
        }
        %rem3A_202 = arith.constant 2 : i32
        %rem3A_203 = arith.remui %scan3A_127, %rem3A_202 : i32
        %rem3A_204 = arith.constant 2 : i32
        %rem3A_205 = arith.remui %scan3A_128, %rem3A_204 : i32
        %dma_start3A_206 = arith.constant 0 : i32
        "tpu.trace_start"() <{level = 10 : i32, message = "ep_run_kernel"}> : () -> ()
        %dma_start3A_207 = arith.constant 0 : i32
        %dma_start3A_208 = arith.constant 0 : i32
        %dma_start3A_209 = arith.constant 0 : i32
        %dma_start3A_210 = tpu.memref_slice %run_scoped3A_8[%rem3A_205, %dma_start3A_207, %dma_start3A_208, %dma_start3A_209] : memref<2x128x2x128xf32, #tpu.memory_space<vmem>> -> memref<1x128x2x128xf32, #tpu.memory_space<vmem>>
        %dma_start3A_211 = tpu.memref_squeeze %dma_start3A_210 : memref<1x128x2x128xf32, #tpu.memory_space<vmem>> -> memref<128x2x128xf32, #tpu.memory_space<vmem>>
        %dma_start3A_212 = arith.constant 0 : i32
        %dma_start3A_213 = arith.constant 0 : i32
        %dma_start3A_214 = arith.constant 0 : i32
        %dma_start3A_215 = tpu.memref_slice %dma_start3A_211[%dma_start3A_212, %dma_start3A_213, %dma_start3A_214] : memref<128x2x128xf32, #tpu.memory_space<vmem>> -> memref<64x2x128xf32, #tpu.memory_space<vmem>>
        %dma_start3A_216 = arith.constant 0 : i32
        %dma_start3A_217 = arith.constant 0 : i32
        %dma_start3A_218 = tpu.memref_slice %run_scoped3A[%rem3A_203, %dma_start3A_216, %dma_start3A_217] : memref<2x1x128xi32, #tpu.memory_space<vmem>> -> memref<1x1x128xi32, #tpu.memory_space<vmem>>
        %dma_start3A_219 = tpu.memref_squeeze %dma_start3A_218 : memref<1x1x128xi32, #tpu.memory_space<vmem>> -> memref<1x128xi32, #tpu.memory_space<vmem>>
        %dma_start3A_220 = arith.constant 0 : i32
        %dma_start3A_221 = tpu.memref_slice %dma_start3A_219[%dma_start3A_206, %dma_start3A_220] : memref<1x128xi32, #tpu.memory_space<vmem>> -> memref<1x64xi32, #tpu.memory_space<vmem>>
        %dma_start3A_222 = tpu.memref_squeeze %dma_start3A_221 : memref<1x64xi32, #tpu.memory_space<vmem>> -> memref<64xi32, #tpu.memory_space<vmem>>
        %dma_start3A_223 = arith.constant 0 : i32
        %dma_start3A_224 = arith.constant 0 : i32
        %dma_start3A_225 = arith.constant 0 : i32
        %dma_start3A_226 = tpu.memref_slice %arg2[%dma_start3A_223, %dma_start3A_224, %dma_start3A_225] : memref<20000x2x128xf32, #tpu.memory_space<hbm>> -> memref<20000x2x128xf32, #tpu.memory_space<hbm>>
        tpu.enqueue_indirect_dma source(%dma_start3A_226 : memref<20000x2x128xf32, #tpu.memory_space<hbm>>) target(%dma_start3A_215 : memref<64x2x128xf32, #tpu.memory_space<vmem>>) offsets(%dma_start3A_222 : memref<64xi32, #tpu.memory_space<vmem>>) semaphore(%arg5 : memref<!tpu.dma_semaphore, #tpu.memory_space<semaphore_mem>>)
        %dma_start3A_227 = arith.constant 0 : i32
        %dma_start3A_228 = arith.constant 0 : i32
        %dma_start3A_229 = arith.constant 0 : i32
        %dma_start3A_230 = arith.constant 0 : i32
        %dma_start3A_231 = tpu.memref_slice %run_scoped3A_8[%rem3A_205, %dma_start3A_228, %dma_start3A_229, %dma_start3A_230] : memref<2x128x2x128xf32, #tpu.memory_space<vmem>> -> memref<1x128x2x128xf32, #tpu.memory_space<vmem>>
        %dma_start3A_232 = tpu.memref_squeeze %dma_start3A_231 : memref<1x128x2x128xf32, #tpu.memory_space<vmem>> -> memref<128x2x128xf32, #tpu.memory_space<vmem>>
        %dma_start3A_233 = arith.constant 64 : i32
        %dma_start3A_234 = arith.constant 0 : i32
        %dma_start3A_235 = arith.constant 0 : i32
        %dma_start3A_236 = tpu.memref_slice %dma_start3A_232[%dma_start3A_233, %dma_start3A_234, %dma_start3A_235] : memref<128x2x128xf32, #tpu.memory_space<vmem>> -> memref<64x2x128xf32, #tpu.memory_space<vmem>>
        %dma_start3A_237 = arith.constant 0 : i32
        %dma_start3A_238 = arith.constant 0 : i32
        %dma_start3A_239 = tpu.memref_slice %run_scoped3A[%rem3A_203, %dma_start3A_237, %dma_start3A_238] : memref<2x1x128xi32, #tpu.memory_space<vmem>> -> memref<1x1x128xi32, #tpu.memory_space<vmem>>
        %dma_start3A_240 = tpu.memref_squeeze %dma_start3A_239 : memref<1x1x128xi32, #tpu.memory_space<vmem>> -> memref<1x128xi32, #tpu.memory_space<vmem>>
        %dma_start3A_241 = arith.constant 64 : i32
        %dma_start3A_242 = tpu.memref_slice %dma_start3A_240[%dma_start3A_227, %dma_start3A_241] : memref<1x128xi32, #tpu.memory_space<vmem>> -> memref<1x64xi32, #tpu.memory_space<vmem>>
        %dma_start3A_243 = tpu.memref_squeeze %dma_start3A_242 : memref<1x64xi32, #tpu.memory_space<vmem>> -> memref<64xi32, #tpu.memory_space<vmem>>
        %dma_start3A_244 = arith.constant 0 : i32
        %dma_start3A_245 = arith.constant 0 : i32
        %dma_start3A_246 = arith.constant 0 : i32
        %dma_start3A_247 = tpu.memref_slice %arg2[%dma_start3A_244, %dma_start3A_245, %dma_start3A_246] : memref<20000x2x128xf32, #tpu.memory_space<hbm>> -> memref<20000x2x128xf32, #tpu.memory_space<hbm>>
        tpu.enqueue_indirect_dma source(%dma_start3A_247 : memref<20000x2x128xf32, #tpu.memory_space<hbm>>) target(%dma_start3A_236 : memref<64x2x128xf32, #tpu.memory_space<vmem>>) offsets(%dma_start3A_243 : memref<64xi32, #tpu.memory_space<vmem>>) semaphore(%arg6 : memref<!tpu.dma_semaphore, #tpu.memory_space<semaphore_mem>>)
        %dma_wait3A_248 = arith.constant 0 : i32
        %dma_wait3A_249 = arith.constant 0 : i32
        %dma_wait3A_250 = arith.constant 0 : i32
        %dma_wait3A_251 = arith.constant 0 : i32
        %dma_wait3A_252 = tpu.memref_slice %run_scoped3A_8[%rem3A_205, %dma_wait3A_249, %dma_wait3A_250, %dma_wait3A_251] : memref<2x128x2x128xf32, #tpu.memory_space<vmem>> -> memref<1x128x2x128xf32, #tpu.memory_space<vmem>>
        %dma_wait3A_253 = tpu.memref_squeeze %dma_wait3A_252 : memref<1x128x2x128xf32, #tpu.memory_space<vmem>> -> memref<128x2x128xf32, #tpu.memory_space<vmem>>
        %dma_wait3A_254 = arith.constant 0 : i32
        %dma_wait3A_255 = arith.constant 0 : i32
        %dma_wait3A_256 = arith.constant 0 : i32
        %dma_wait3A_257 = tpu.memref_slice %dma_wait3A_253[%dma_wait3A_254, %dma_wait3A_255, %dma_wait3A_256] : memref<128x2x128xf32, #tpu.memory_space<vmem>> -> memref<64x2x128xf32, #tpu.memory_space<vmem>>
        %dma_wait3A_258 = arith.constant 0 : i32
        %dma_wait3A_259 = arith.constant 0 : i32
        %dma_wait3A_260 = tpu.memref_slice %run_scoped3A[%rem3A_203, %dma_wait3A_258, %dma_wait3A_259] : memref<2x1x128xi32, #tpu.memory_space<vmem>> -> memref<1x1x128xi32, #tpu.memory_space<vmem>>
        %dma_wait3A_261 = tpu.memref_squeeze %dma_wait3A_260 : memref<1x1x128xi32, #tpu.memory_space<vmem>> -> memref<1x128xi32, #tpu.memory_space<vmem>>
        %dma_wait3A_262 = arith.constant 0 : i32
        %dma_wait3A_263 = tpu.memref_slice %dma_wait3A_261[%dma_wait3A_248, %dma_wait3A_262] : memref<1x128xi32, #tpu.memory_space<vmem>> -> memref<1x64xi32, #tpu.memory_space<vmem>>
        %dma_wait3A_264 = tpu.memref_squeeze %dma_wait3A_263 : memref<1x64xi32, #tpu.memory_space<vmem>> -> memref<64xi32, #tpu.memory_space<vmem>>
        %dma_wait3A_265 = arith.constant 0 : i32
        %dma_wait3A_266 = arith.constant 0 : i32
        %dma_wait3A_267 = arith.constant 0 : i32
        %dma_wait3A_268 = tpu.memref_slice %arg2[%dma_wait3A_265, %dma_wait3A_266, %dma_wait3A_267] : memref<20000x2x128xf32, #tpu.memory_space<hbm>> -> memref<20000x2x128xf32, #tpu.memory_space<hbm>>
        tpu.wait_indirect_dma semaphore(%arg5 : memref<!tpu.dma_semaphore, #tpu.memory_space<semaphore_mem>>) src(%dma_wait3A_268 : memref<20000x2x128xf32, #tpu.memory_space<hbm>>) dst(%dma_wait3A_257 : memref<64x2x128xf32, #tpu.memory_space<vmem>>)
        %dma_wait3A_269 = arith.constant 0 : i32
        %dma_wait3A_270 = arith.constant 0 : i32
        %dma_wait3A_271 = arith.constant 0 : i32
        %dma_wait3A_272 = arith.constant 0 : i32
        %dma_wait3A_273 = tpu.memref_slice %run_scoped3A_8[%rem3A_205, %dma_wait3A_270, %dma_wait3A_271, %dma_wait3A_272] : memref<2x128x2x128xf32, #tpu.memory_space<vmem>> -> memref<1x128x2x128xf32, #tpu.memory_space<vmem>>
        %dma_wait3A_274 = tpu.memref_squeeze %dma_wait3A_273 : memref<1x128x2x128xf32, #tpu.memory_space<vmem>> -> memref<128x2x128xf32, #tpu.memory_space<vmem>>
        %dma_wait3A_275 = arith.constant 64 : i32
        %dma_wait3A_276 = arith.constant 0 : i32
        %dma_wait3A_277 = arith.constant 0 : i32
        %dma_wait3A_278 = tpu.memref_slice %dma_wait3A_274[%dma_wait3A_275, %dma_wait3A_276, %dma_wait3A_277] : memref<128x2x128xf32, #tpu.memory_space<vmem>> -> memref<64x2x128xf32, #tpu.memory_space<vmem>>
        %dma_wait3A_279 = arith.constant 0 : i32
        %dma_wait3A_280 = arith.constant 0 : i32
        %dma_wait3A_281 = tpu.memref_slice %run_scoped3A[%rem3A_203, %dma_wait3A_279, %dma_wait3A_280] : memref<2x1x128xi32, #tpu.memory_space<vmem>> -> memref<1x1x128xi32, #tpu.memory_space<vmem>>
        %dma_wait3A_282 = tpu.memref_squeeze %dma_wait3A_281 : memref<1x1x128xi32, #tpu.memory_space<vmem>> -> memref<1x128xi32, #tpu.memory_space<vmem>>
        %dma_wait3A_283 = arith.constant 64 : i32
        %dma_wait3A_284 = tpu.memref_slice %dma_wait3A_282[%dma_wait3A_269, %dma_wait3A_283] : memref<1x128xi32, #tpu.memory_space<vmem>> -> memref<1x64xi32, #tpu.memory_space<vmem>>
        %dma_wait3A_285 = tpu.memref_squeeze %dma_wait3A_284 : memref<1x64xi32, #tpu.memory_space<vmem>> -> memref<64xi32, #tpu.memory_space<vmem>>
        %dma_wait3A_286 = arith.constant 0 : i32
        %dma_wait3A_287 = arith.constant 0 : i32
        %dma_wait3A_288 = arith.constant 0 : i32
        %dma_wait3A_289 = tpu.memref_slice %arg2[%dma_wait3A_286, %dma_wait3A_287, %dma_wait3A_288] : memref<20000x2x128xf32, #tpu.memory_space<hbm>> -> memref<20000x2x128xf32, #tpu.memory_space<hbm>>
        tpu.wait_indirect_dma semaphore(%arg6 : memref<!tpu.dma_semaphore, #tpu.memory_space<semaphore_mem>>) src(%dma_wait3A_289 : memref<20000x2x128xf32, #tpu.memory_space<hbm>>) dst(%dma_wait3A_278 : memref<64x2x128xf32, #tpu.memory_space<vmem>>)
        "tpu.trace_stop"() : () -> ()
        %ne3A_290 = arith.cmpi ne, %add3A_135, %add3A_153 : i32
        %or3A_291 = arith.constant false
        %or3A_292 = arith.ori %or3A_291, %ne3A_290 : i1
        %or3A_293 = arith.ori %or3A_292, %eq3A_134 : i1
        %convert_element_type3A_294 = arith.extui %or3A_293 : i1 to i32
        %cond3A_295 = arith.constant 0 : i32
        %cond3A_296 = arith.cmpi ne, %convert_element_type3A_294, %cond3A_295 : i32
        scf.if %cond3A_296 {
        } else {
        }
        %and3A_297 = arith.constant false
        %and3A_298 = arith.andi %or3A_293, %and3A_297 : i1
        %ne3A_299 = arith.cmpi ne, %add3A_135, %add3A_153 : i32
        %or3A_300 = arith.constant false
        %or3A_301 = arith.ori %or3A_300, %ne3A_299 : i1
        %or3A_302 = arith.constant false
        %or3A_303 = arith.ori %or3A_301, %or3A_302 : i1
        %or3A_304 = arith.constant false
        %or3A_305 = arith.ori %or3A_303, %or3A_304 : i1
        %or3A_306 = arith.ori %or3A_305, %eq3A_134 : i1
        %convert_element_type3A_307 = arith.extui %or3A_306 : i1 to i32
        %cond3A_308 = arith.constant 0 : i32
        %cond3A_309 = arith.cmpi ne, %convert_element_type3A_307, %cond3A_308 : i32
        scf.if %cond3A_309 {
          "tpu.trace_start"() <{level = 10 : i32, message = "ep_copy_out"}> : () -> ()
          %rem3A_359 = arith.constant 2 : i32
          %rem3A_360 = arith.remui %scan3A_128, %rem3A_359 : i32
          %mul3A_361 = arith.constant 128 : i32
          %mul3A_362 = arith.muli %mul3A_361, %add3A_135 : i32
          %dma_start3A_363 = arith.constant 0 : i32
          %dma_start3A_364 = arith.constant 0 : i32
          %dma_start3A_365 = arith.constant 0 : i32
          %dma_start3A_366 = tpu.memref_slice %run_scoped3A_8[%rem3A_360, %dma_start3A_363, %dma_start3A_364, %dma_start3A_365] : memref<2x128x2x128xf32, #tpu.memory_space<vmem>> -> memref<1x128x2x128xf32, #tpu.memory_space<vmem>>
          %dma_start3A_367 = tpu.memref_squeeze %dma_start3A_366 : memref<1x128x2x128xf32, #tpu.memory_space<vmem>> -> memref<128x2x128xf32, #tpu.memory_space<vmem>>
          %dma_start3A_368 = arith.constant 0 : i32
          %dma_start3A_369 = arith.constant 0 : i32
          %dma_start3A_370 = tpu.memref_slice %arg4[%mul3A_362, %dma_start3A_368, %dma_start3A_369] : memref<409600x2x128xf32, #tpu.memory_space<hbm>> -> memref<128x2x128xf32, #tpu.memory_space<hbm>>
          %dma_start3A_371 = tpu.memref_slice %run_scoped3A_9[%rem3A_360] : memref<2x!tpu.dma_semaphore, #tpu.memory_space<semaphore_mem>> -> memref<1x!tpu.dma_semaphore, #tpu.memory_space<semaphore_mem>>
          %dma_start3A_372 = tpu.memref_squeeze %dma_start3A_371 : memref<1x!tpu.dma_semaphore, #tpu.memory_space<semaphore_mem>> -> memref<!tpu.dma_semaphore, #tpu.memory_space<semaphore_mem>>
          %dma_start3A_373 = arith.constant 0 : i32
          %dma_start3A_374 = arith.constant 0 : i32
          %dma_start3A_375 = tpu.memref_slice %arg4[%mul3A_362, %dma_start3A_373, %dma_start3A_374] : memref<409600x2x128xf32, #tpu.memory_space<hbm>> -> memref<128x2x128xf32, #tpu.memory_space<hbm>>
          %dma_start3A_376 = arith.constant 0 : i32
          %dma_start3A_377 = arith.constant 0 : i32
          %dma_start3A_378 = arith.constant 0 : i32
          %dma_start3A_379 = tpu.memref_slice %run_scoped3A_8[%rem3A_360, %dma_start3A_376, %dma_start3A_377, %dma_start3A_378] : memref<2x128x2x128xf32, #tpu.memory_space<vmem>> -> memref<1x128x2x128xf32, #tpu.memory_space<vmem>>
          %dma_start3A_380 = tpu.memref_squeeze %dma_start3A_379 : memref<1x128x2x128xf32, #tpu.memory_space<vmem>> -> memref<128x2x128xf32, #tpu.memory_space<vmem>>
          tpu.enqueue_dma source(%dma_start3A_380 : memref<128x2x128xf32, #tpu.memory_space<vmem>>) target(%dma_start3A_375 : memref<128x2x128xf32, #tpu.memory_space<hbm>>) target_semaphore(%dma_start3A_372 : memref<!tpu.dma_semaphore, #tpu.memory_space<semaphore_mem>>)
          "tpu.trace_stop"() : () -> ()
        } else {
        }
        %and3A_310 = arith.constant true
        %and3A_311 = arith.andi %or3A_306, %and3A_310 : i1
        %add3A_312 = arith.constant 1 : i32
        %add3A_313 = arith.addi %scan3A_128, %add3A_312 : i32
        %select_n3A_314 = arith.select %and3A_311, %add3A_313, %scan3A_128 : i32
        %ne3A_315 = arith.cmpi ne, %add3A_135, %add3A_144 : i32
        %or3A_316 = arith.constant false
        %or3A_317 = arith.ori %or3A_316, %ne3A_315 : i1
        %not3A_318 = arith.constant true
        %not3A_319 = arith.xori %eq3A_132, %not3A_318 : i1
        %and3A_320 = arith.andi %or3A_317, %not3A_319 : i1
        %convert_element_type3A_321 = arith.extui %and3A_320 : i1 to i32
        %cond3A_322 = arith.constant 0 : i32
        %cond3A_323 = arith.cmpi ne, %convert_element_type3A_321, %cond3A_322 : i32
        scf.if %cond3A_323 {
        } else {
        }
        %and3A_324 = arith.constant false
        %and3A_325 = arith.andi %and3A_320, %and3A_324 : i1
        %ne3A_326 = arith.cmpi ne, %add3A_135, %add3A_144 : i32
        %or3A_327 = arith.constant false
        %or3A_328 = arith.ori %or3A_327, %ne3A_326 : i1
        %or3A_329 = arith.constant false
        %or3A_330 = arith.ori %or3A_328, %or3A_329 : i1
        %or3A_331 = arith.constant false
        %or3A_332 = arith.ori %or3A_330, %or3A_331 : i1
        %not3A_333 = arith.constant true
        %not3A_334 = arith.xori %eq3A_132, %not3A_333 : i1
        %and3A_335 = arith.andi %or3A_332, %not3A_334 : i1
        %convert_element_type3A_336 = arith.extui %and3A_335 : i1 to i32
        %cond3A_337 = arith.constant 0 : i32
        %cond3A_338 = arith.cmpi ne, %convert_element_type3A_336, %cond3A_337 : i32
        scf.if %cond3A_338 {
          "tpu.trace_start"() <{level = 10 : i32, message = "ep_wait_out"}> : () -> ()
          %rem3A_359 = arith.constant 2 : i32
          %rem3A_360 = arith.remui %scan3A_129, %rem3A_359 : i32
          %mul3A_361 = arith.constant 128 : i32
          %mul3A_362 = arith.muli %mul3A_361, %add3A_144 : i32
          %dma_wait3A_363 = arith.constant 0 : i32
          %dma_wait3A_364 = arith.constant 0 : i32
          %dma_wait3A_365 = arith.constant 0 : i32
          %dma_wait3A_366 = tpu.memref_slice %run_scoped3A_8[%rem3A_360, %dma_wait3A_363, %dma_wait3A_364, %dma_wait3A_365] : memref<2x128x2x128xf32, #tpu.memory_space<vmem>> -> memref<1x128x2x128xf32, #tpu.memory_space<vmem>>
          %dma_wait3A_367 = tpu.memref_squeeze %dma_wait3A_366 : memref<1x128x2x128xf32, #tpu.memory_space<vmem>> -> memref<128x2x128xf32, #tpu.memory_space<vmem>>
          %dma_wait3A_368 = arith.constant 0 : i32
          %dma_wait3A_369 = arith.constant 0 : i32
          %dma_wait3A_370 = tpu.memref_slice %arg4[%mul3A_362, %dma_wait3A_368, %dma_wait3A_369] : memref<409600x2x128xf32, #tpu.memory_space<hbm>> -> memref<128x2x128xf32, #tpu.memory_space<hbm>>
          %dma_wait3A_371 = tpu.memref_slice %run_scoped3A_9[%rem3A_360] : memref<2x!tpu.dma_semaphore, #tpu.memory_space<semaphore_mem>> -> memref<1x!tpu.dma_semaphore, #tpu.memory_space<semaphore_mem>>
          %dma_wait3A_372 = tpu.memref_squeeze %dma_wait3A_371 : memref<1x!tpu.dma_semaphore, #tpu.memory_space<semaphore_mem>> -> memref<!tpu.dma_semaphore, #tpu.memory_space<semaphore_mem>>
          %dma_wait3A_373 = arith.constant 0 : i32
          %dma_wait3A_374 = arith.constant 0 : i32
          %dma_wait3A_375 = tpu.memref_slice %arg4[%mul3A_362, %dma_wait3A_373, %dma_wait3A_374] : memref<409600x2x128xf32, #tpu.memory_space<hbm>> -> memref<128x2x128xf32, #tpu.memory_space<hbm>>
          %dma_wait3A_376 = arith.constant 0 : i32
          %dma_wait3A_377 = arith.constant 0 : i32
          %dma_wait3A_378 = arith.constant 0 : i32
          %dma_wait3A_379 = tpu.memref_slice %run_scoped3A_8[%rem3A_360, %dma_wait3A_376, %dma_wait3A_377, %dma_wait3A_378] : memref<2x128x2x128xf32, #tpu.memory_space<vmem>> -> memref<1x128x2x128xf32, #tpu.memory_space<vmem>>
          %dma_wait3A_380 = tpu.memref_squeeze %dma_wait3A_379 : memref<1x128x2x128xf32, #tpu.memory_space<vmem>> -> memref<128x2x128xf32, #tpu.memory_space<vmem>>
          tpu.wait_dma2 semaphore(%dma_wait3A_372 : memref<!tpu.dma_semaphore, #tpu.memory_space<semaphore_mem>>) src(%dma_wait3A_380 : memref<128x2x128xf32, #tpu.memory_space<vmem>>) dst(%dma_wait3A_375 : memref<128x2x128xf32, #tpu.memory_space<hbm>>)
          "tpu.trace_stop"() : () -> ()
        } else {
        }
        %and3A_339 = arith.constant true
        %and3A_340 = arith.andi %and3A_335, %and3A_339 : i1
        %add3A_341 = arith.constant 1 : i32
        %add3A_342 = arith.addi %scan3A_129, %add3A_341 : i32
        %select_n3A_343 = arith.select %and3A_340, %add3A_342, %scan3A_129 : i32
        %ne3A_344 = arith.cmpi ne, %add3A_135, %add3A_153 : i32
        %or3A_345 = arith.constant false
        %or3A_346 = arith.ori %or3A_345, %ne3A_344 : i1
        %or3A_347 = arith.ori %or3A_346, %eq3A_134 : i1
        %add3A_348 = arith.constant 1 : i32
        %add3A_349 = arith.addi %scan3A_127, %add3A_348 : i32
        %select_n3A_350 = arith.select %or3A_347, %add3A_349, %scan3A_127 : i32
        %add3A_351 = arith.constant 1 : i32
        %add3A_352 = arith.addi %scan3A_130, %add3A_351 : i32
        %select_n3A_353 = arith.constant true
        %select_n3A_354 = arith.select %select_n3A_353, %add3A_352, %scan3A_130 : i32
        %eq3A_355 = arith.constant 100 : i32
        %eq3A_356 = arith.cmpi eq, %select_n3A_354, %eq3A_355 : i32
        %select_n3A_357 = arith.constant 0 : i32
        %select_n3A_358 = arith.select %eq3A_356, %select_n3A_357, %select_n3A_354 : i32
        scf.yield %select_n3A_171, %select_n3A_350, %select_n3A_314, %select_n3A_343, %select_n3A_358 : i32, i32, i32, i32, i32
      }
      %scan3A_68 = arith.constant 100 : i32
      %sub3A = arith.constant 1 : i32
      %sub3A_69 = arith.subi %scan3A_67#4, %sub3A : i32
      %select_n3A_70 = arith.constant true
      %select_n3A_71 = arith.select %select_n3A_70, %sub3A_69, %scan3A_67#4 : i32
      %eq3A_72 = arith.constant -1 : i32
      %eq3A_73 = arith.cmpi eq, %select_n3A_71, %eq3A_72 : i32
      %select_n3A_74 = arith.constant 99 : i32
      %select_n3A_75 = arith.select %eq3A_73, %select_n3A_74, %select_n3A_71 : i32
      %add3A_76 = arith.addi %select_n3A_75, %mul3A_6 : i32
      %sub3A_77 = arith.constant 1 : i32
      %sub3A_78 = arith.subi %select_n3A_75, %sub3A_77 : i32
      %select_n3A_79 = arith.constant true
      %select_n3A_80 = arith.select %select_n3A_79, %sub3A_78, %select_n3A_75 : i32
      %eq3A_81 = arith.constant -1 : i32
      %eq3A_82 = arith.cmpi eq, %select_n3A_80, %eq3A_81 : i32
      %select_n3A_83 = arith.constant 99 : i32
      %select_n3A_84 = arith.select %eq3A_82, %select_n3A_83, %select_n3A_80 : i32
      %add3A_85 = arith.addi %select_n3A_84, %mul3A_6 : i32
      %add3A_86 = arith.constant 1 : i32
      %add3A_87 = arith.addi %select_n3A_75, %add3A_86 : i32
      %select_n3A_88 = arith.constant true
      %select_n3A_89 = arith.select %select_n3A_88, %add3A_87, %select_n3A_75 : i32
      %eq3A_90 = arith.constant 100 : i32
      %eq3A_91 = arith.cmpi eq, %select_n3A_89, %eq3A_90 : i32
      %select_n3A_92 = arith.constant 0 : i32
      %select_n3A_93 = arith.select %eq3A_91, %select_n3A_92, %select_n3A_89 : i32
      %add3A_94 = arith.addi %select_n3A_93, %mul3A_6 : i32
      %add3A_95 = arith.constant 1 : i32
      %add3A_96 = arith.addi %select_n3A_93, %add3A_95 : i32
      %select_n3A_97 = arith.constant true
      %select_n3A_98 = arith.select %select_n3A_97, %add3A_96, %select_n3A_93 : i32
      %eq3A_99 = arith.constant 100 : i32
      %eq3A_100 = arith.cmpi eq, %select_n3A_98, %eq3A_99 : i32
      %select_n3A_101 = arith.constant 0 : i32
      %select_n3A_102 = arith.select %eq3A_100, %select_n3A_101, %select_n3A_98 : i32
      %add3A_103 = arith.addi %select_n3A_102, %mul3A_6 : i32
      "tpu.trace_start"() <{level = 10 : i32, message = "ep_finalize"}> : () -> ()
      %rem3A_104 = arith.constant 2 : i32
      %rem3A_105 = arith.remui %scan3A_67#3, %rem3A_104 : i32
      %mul3A_106 = arith.constant 128 : i32
      %mul3A_107 = arith.muli %mul3A_106, %add3A_76 : i32
      %dma_wait3A = arith.constant 0 : i32
      %dma_wait3A_108 = arith.constant 0 : i32
      %dma_wait3A_109 = arith.constant 0 : i32
      %dma_wait3A_110 = tpu.memref_slice %run_scoped3A_8[%rem3A_105, %dma_wait3A, %dma_wait3A_108, %dma_wait3A_109] : memref<2x128x2x128xf32, #tpu.memory_space<vmem>> -> memref<1x128x2x128xf32, #tpu.memory_space<vmem>>
      %dma_wait3A_111 = tpu.memref_squeeze %dma_wait3A_110 : memref<1x128x2x128xf32, #tpu.memory_space<vmem>> -> memref<128x2x128xf32, #tpu.memory_space<vmem>>
      %dma_wait3A_112 = arith.constant 0 : i32
      %dma_wait3A_113 = arith.constant 0 : i32
      %dma_wait3A_114 = tpu.memref_slice %arg4[%mul3A_107, %dma_wait3A_112, %dma_wait3A_113] : memref<409600x2x128xf32, #tpu.memory_space<hbm>> -> memref<128x2x128xf32, #tpu.memory_space<hbm>>
      %dma_wait3A_115 = tpu.memref_slice %run_scoped3A_9[%rem3A_105] : memref<2x!tpu.dma_semaphore, #tpu.memory_space<semaphore_mem>> -> memref<1x!tpu.dma_semaphore, #tpu.memory_space<semaphore_mem>>
      %dma_wait3A_116 = tpu.memref_squeeze %dma_wait3A_115 : memref<1x!tpu.dma_semaphore, #tpu.memory_space<semaphore_mem>> -> memref<!tpu.dma_semaphore, #tpu.memory_space<semaphore_mem>>
      %dma_wait3A_117 = arith.constant 0 : i32
      %dma_wait3A_118 = arith.constant 0 : i32
      %dma_wait3A_119 = tpu.memref_slice %arg4[%mul3A_107, %dma_wait3A_117, %dma_wait3A_118] : memref<409600x2x128xf32, #tpu.memory_space<hbm>> -> memref<128x2x128xf32, #tpu.memory_space<hbm>>
      %dma_wait3A_120 = arith.constant 0 : i32
      %dma_wait3A_121 = arith.constant 0 : i32
      %dma_wait3A_122 = arith.constant 0 : i32
      %dma_wait3A_123 = tpu.memref_slice %run_scoped3A_8[%rem3A_105, %dma_wait3A_120, %dma_wait3A_121, %dma_wait3A_122] : memref<2x128x2x128xf32, #tpu.memory_space<vmem>> -> memref<1x128x2x128xf32, #tpu.memory_space<vmem>>
      %dma_wait3A_124 = tpu.memref_squeeze %dma_wait3A_123 : memref<1x128x2x128xf32, #tpu.memory_space<vmem>> -> memref<128x2x128xf32, #tpu.memory_space<vmem>>
      tpu.wait_dma2 semaphore(%dma_wait3A_116 : memref<!tpu.dma_semaphore, #tpu.memory_space<semaphore_mem>>) src(%dma_wait3A_124 : memref<128x2x128xf32, #tpu.memory_space<vmem>>) dst(%dma_wait3A_119 : memref<128x2x128xf32, #tpu.memory_space<hbm>>)
      "tpu.trace_stop"() : () -> ()
      tpu.yield
    }) : () -> ()
    return
  }
}

</mosaic_0001>

<sc_bundles>
// kernel: kernel.3.cloned.1.call-start
scs
__scs_entry_jumppad:
0x0: {  	(pc) =	sbr.rel $0x88, $3  }
0x1: {  	(tag) =	ssettag $0x0;
	lr =	simm.s32 $0x1  }
0x2: {  	[smem:$0x3F9F] =	sst lr;
	_ =	strace $0xD0000000  }
0x3: {  	_ = 	snop  }
0x4: {  	_ = 	snop  }
0x5: {  	_ = 	snop  }
0x6: {  	_ = 	snop  }
0x7: {  	_ = 	snop  }
__scs_overlays_trampoline_lowered:
0x8: {  	[smem:$0x3FAE] =	sst s0  }
0x9: {  	[smem:$0x3FAF] =	sst s1  }
0xa: {  	[smem:$0x3FB0] =	sst s2  }
0xb: {  	[smem:$0x3FB1] =	sst s3  }
0xc: {  	[smem:$0x3FB2] =	sst s4  }
0xd: {  	[smem:$0x3FB3] =	sst s5  }
0xe: {  	[smem:$0x3FB4] =	sst s6  }
0xf: {  	[smem:$0x3FB5] =	sst s7  }
0x10: {  	[smem:$0x3FB6] =	sst s8  }
0x11: {  	[smem:$0x3FB7] =	sst s9;
	s0 =	simm.s32 @!p0 $0x0  }
0x12: {  	s1 =	sld [smem:$0x3F9D];
	s0 =	simm.s32 @p0 $0x1  }
0x13: {  	[smem:$0x3FB8] =	sst s0;
	s0 =	simm.s32 @!p1 $0x0  }
0x14: {  	s2 =	sld [smem:$0x3F9C];
	s0 =	simm.s32 @p1 $0x1  }
0x15: {  	[smem:$0x3FB9] =	sst s0;
	s0 =	simm.s32 @!p2 $0x0  }
0x16: {  	s3 =	sld [smem:$0x3FDB];
	s0 =	simm.s32 @p2 $0x1  }
0x17: {  	s4 =	simm.s32 $0x1BF5;
	[smem:$0x3FBB] =	sst s0  }
0x18: {  	s0 =	sld [smem:$0x3F9E];
	_ =	swait.ge [sflag:s4], $0x0  }
0x19: {  	s7 =	sld [smem:$0x3F9F]  }
0x1a: {  	s8 =	sadd.s32 $0xFFFFE003, lr  }
0x1b: {  	s9 =	sadd.s32 $0xFFFFFEF7, lr;
	s5 =	simm.s32 $0xFFFFFFFF;
	p2 =	slt.u32 s8, $0xFFFFF086  }
0x1c: {  	p1 =	slt.u32 s9, $0xF7A;
	s5 =	simm.s32 @!p2 $0x0  }
0x1d: {  	s5 =	simm.s32 @p1 $0x1;
	p0 =	seq.s32 s7, s2  }
0x1e: {  	s7 =	smul.u32 @!p0 $0xF7A, s2;
	p2 =	seq.s32 @!p0 s5, $0x0  }
0x1f: {  	s9 =	smul.u32 $0xF7A, s1;
	s8 =	simm.s32 @!p0 $0x1BF5;
	p2 =	por !p2, p0  }
0x20: {  	[sflag:s8] =	ssyncset.s32 @!p0 $0xFFFFF086;
	s6 =	sadd.s32 @!p0 s3, s7;
	s7 =	simm.s32 @!p0 $0x108  }
0x21: {  	s3 =	sadd.s32 s3, s9;
	s6 =	sadd.s32 @!p0 $0x88, s6;
	s7 =	simm.s32 @p2 $0x1082  }
0x22: {  	[simem:s7], [sflag:s8] =	dma.local @!p0 [hbm:s6], $0xF7A  }
0x23: {  	s9 =	sor.u32 $0xD0000000, s2;
	s6 =	simm.s32 $0x108;
	_ =	swait.ge @!p0 [sflag:s8], $0x0  }
0x24: {  	s3 =	sadd.s32 $0x88, s3;
	s6 =	simm.s32 @!p1 $0x1082;
	[sflag:s4] =	ssyncset.s32 $0xFFFFF086  }
0x25: {  	[simem:s6], [sflag:s4] =	dma.local [hbm:s3], $0xF7A  }
0x26: {  	[smem:$0x3F9F] =	sst s1;
	(tag) =	ssettag s2;
	_ =	strace s9  }
0x27: {  	s1 =	sld [smem:$0x3FAF]  }
0x28: {  	s2 =	sld [smem:$0x3FB0]  }
0x29: {  	s4 =	sld [smem:$0x3FB2]  }
0x2a: {  	p0 =	seq.s32 s5, $0x0;
	s5 =	sld [smem:$0x3FB3]  }
0x2b: {  	s6 =	sld [smem:$0x3FB4]  }
0x2c: {  	s7 =	sld [smem:$0x3FB5]  }
0x2d: {  	s3 =	simm.s32 $0x108;
	s8 =	sld [smem:$0x3FB6]  }
0x2e: {  	s3 =	simm.s32 @!p0 $0x1082;
	s9 =	sld [smem:$0x3FB7]  }
0x2f: {  	lr =	sadd.s32 s0, s3;
	s0 =	sld [smem:$0x3FAE]  }
0x30: {  	s3 =	sld [smem:$0x3FB1]  }
0x31: {  	[smem:$0x3FBA] =	sst s10  }
0x32: {  	s10 =	sld [smem:$0x3FB8];
	_ =	sdelay $0x3  }
0x33: {  	p0 =	seq.s32 s10, $0x1;
	s10 =	sld [smem:$0x3FBA];
	_ =	sdelay $0x3  }
0x34: {  	[smem:$0x3FBA] =	sst s10  }
0x35: {  	s10 =	sld [smem:$0x3FB9];
	_ =	sdelay $0x3  }
0x36: {  	p1 =	seq.s32 s10, $0x1;
	s10 =	sld [smem:$0x3FBA];
	_ =	sdelay $0x3  }
0x37: {  	[smem:$0x3FBA] =	sst s10  }
0x38: {  	s10 =	sld [smem:$0x3FBB]  }
0x39: {  	_ = 	snop;
	(pc) =	sbr.ind lr, $3  }
0x3a: {  	_ = 	snop  }
0x3b: {  	_ = 	snop  }
0x3c: {  	p2 =	seq.s32 s10, $0x1;
	s10 =	sld [smem:$0x3FBA]  }
0x3d: {  	_ =	shalt  }
0x3e: {  	_ =	shalt  }
0x3f: {  	_ =	shalt  }
0x40: {  	_ =	shalt  }
0x41: {  	_ =	shalt  }
0x42: {  	_ =	shalt  }
0x43: {  	_ =	shalt  }
0x44: {  	_ =	shalt  }
0x45: {  	_ =	shalt  }
0x46: {  	_ =	shalt  }
0x47: {  	_ =	shalt  }
0x48: {  	_ =	shalt  }
0x49: {  	_ =	shalt  }
0x4a: {  	_ =	shalt  }
0x4b: {  	_ =	shalt  }
0x4c: {  	_ =	shalt  }
0x4d: {  	_ =	shalt  }
0x4e: {  	_ =	shalt  }
0x4f: {  	_ =	shalt  }
0x50: {  	_ =	shalt  }
0x51: {  	_ =	shalt  }
0x52: {  	_ =	shalt  }
0x53: {  	_ =	shalt  }
0x54: {  	_ =	shalt  }
0x55: {  	_ =	shalt  }
0x56: {  	_ =	shalt  }
0x57: {  	_ =	shalt  }
0x58: {  	_ =	shalt  }
0x59: {  	_ =	shalt  }
0x5a: {  	_ =	shalt  }
0x5b: {  	_ =	shalt  }
0x5c: {  	_ =	shalt  }
0x5d: {  	_ =	shalt  }
0x5e: {  	_ =	shalt  }
0x5f: {  	_ =	shalt  }
0x60: {  	_ =	shalt  }
0x61: {  	_ =	shalt  }
0x62: {  	_ =	shalt  }
0x63: {  	_ =	shalt  }
0x64: {  	_ =	shalt  }
0x65: {  	_ =	shalt  }
0x66: {  	_ =	shalt  }
0x67: {  	_ =	shalt  }
0x68: {  	_ =	shalt  }
0x69: {  	_ =	shalt  }
0x6a: {  	_ =	shalt  }
0x6b: {  	_ =	shalt  }
0x6c: {  	_ =	shalt  }
0x6d: {  	_ =	shalt  }
0x6e: {  	_ =	shalt  }
0x6f: {  	_ =	shalt  }
0x70: {  	_ =	shalt  }
0x71: {  	_ =	shalt  }
0x72: {  	_ =	shalt  }
0x73: {  	_ =	shalt  }
0x74: {  	_ =	shalt  }
0x75: {  	_ =	shalt  }
0x76: {  	_ =	shalt  }
0x77: {  	_ =	shalt  }
0x78: {  	_ =	shalt  }
0x79: {  	_ =	shalt  }
0x7a: {  	_ =	shalt  }
0x7b: {  	_ =	shalt  }
0x7c: {  	_ =	shalt  }
0x7d: {  	_ =	shalt  }
0x7e: {  	_ =	shalt  }
0x7f: {  	_ =	shalt  }
0x80: {  	_ =	shalt  }
0x81: {  	_ =	shalt  }
0x82: {  	_ =	shalt  }
0x83: {  	_ =	shalt  }
0x84: {  	_ =	shalt  }
0x85: {  	_ =	shalt  }
0x86: {  	_ =	shalt  }
0x87: {  	_ =	shalt  }
.Lfunc_end0:
.L_simem_size_0:
called_computation.1_lowered:
.L_overlay_start_0:
0x88: {  	s2 =	sld [smem:$0x3FD9]  }
0x89: {  	s3 =	sld [smem:$0x3FFE];
	_ =	sdelay $0x1  }
0x8a: {  	s1 =	srdreg.scid  }
0x8b: {  	s0 =	sand.u32 $0x1, s1  }
0x8c: {  	s17 =	sshll.u32 s0, $0xA;
	s2 =	sadd.s32 s3, s2  }
0x8d: {  	s2 =	sadd.s32 s2, s17  }
0x8e: {  	[smem:$0x3FC6] =	sst s2  }
0x8f: {  	_ = 	snop  }
0x90: {  	s2 =	sld [smem:$0x3FD0];
	(tm) =	ssettm $0x1  }
0x91: {  	s18 =	sld [smem:$0x3FFB];
	_ =	sdelay $0x3  }
0x92: {  	_ =	strace s18  }
0x93: {  	s3 =	sld [smem:$0x3FFC];
	_ =	sdelay $0x3  }
0x94: {  	_ =	strace s3  }
0x95: {  	s3 =	sld [smem:$0x3FFD];
	_ =	sdelay $0x3  }
0x96: {  	_ =	strace s3  }
0x97: {  	_ =	strace $0x8FFFFFFF  }
0x98: {  	s19 =	sld [smem:$0x3FDB];
	_ =	sdelay $0x1  }
0x99: {  	s4 =	simm.s32 $_scs_section_size  }
0x9a: {  	s5 =	simm.s32 $_size__tile_overlayer_lowered;
	s6 =	simm.s32 $_tile_overlayer_lowered  }
0x9b: {  	s22 =	simm.s32 $0x1BFF;
	s21 =	sshll.u32 s6, $0x1;
	s3 =	sadd.s32 s4, s19  }
0x9c: {  	s7 =	simm.s32 $0x0;
	s20 =	sshll.u32 s5, $0x1;
	s5 =	sadd.s32 s21, s3  }
0x9d: {  	[timem:s7], [sflag:s22] =	dma.local [hbm:s5], s20  }
0x9e: {  	_ =	swait.ge [sflag:s22], s20  }
0x9f: {  	s4 =	ssub.s32 $0x0, s20;
	[sflag:s22] =	ssyncset.done $0x0  }
0xa0: {  	[sflag:s22] =	ssyncadd.s32 s4;
	_ =	sdelay $0x1  }
0xa1: {  	s23 =	simm.s32 $0x1B8B  }
0xa2: {  	_ =	swait.ge [sflag:s23], $0x1  }
0xa3: {  	[sflag:s23] =	ssyncset.done $0x0  }
0xa4: {  	s25 =	simm.s32 $0x1B8E;
	s24 =	sld [smem:$0x3FFE];
	[sflag:s23] =	ssyncadd.s32 $0xFFFFFFFF  }
0xa5: {  	s26 =	simm.s32 $execute0_lowered;
	[smem:$0x3FD2] =	sst s25  }
0xa6: {  	s5 =	sshll.u32 s26, $0x1;
	_ =	strace $0x80000046;
	[dreg:$0x1] =	wrdreg $0xFFFFFFFF  }
0xa7: {  	s28 =	simm.s32 $_size_execute0_lowered;
	s3 =	sadd.s32 s3, s5;
	[dreg:$0x0] =	wrdreg $0x0  }
0xa8: {  	s5 =	sshll.u32 s28, $0x1;
	[dreg:$0x2] =	wrdreg s3  }
0xa9: {  	[dreg:$0x3] =	wrdreg s5  }
0xaa: {  	[dreg:$0x4] =	wrdreg $0xC0  }
0xab: {  	_ =	task [dreg:s7], $0x5FFFF  }
0xac: {  	[dreg:$0x1] =	wrdreg $0xFFFFFFFF  }
0xad: {  	[dreg:$0x0] =	wrdreg $0x60  }
0xae: {  	[dreg:$0x2] =	wrdreg s2  }
0xaf: {  	[dreg:$0x3] =	wrdreg s24  }
0xb0: {  	[dreg:$0x4] =	wrdreg $0x9  }
0xb1: {  	_ =	task.clear_ibuf [dreg:s7], $0x5FFFF;
	_ =	strace $0x90000046  }
0xb2: {  	s29 =	simm.s32 $0x9;
	_ =	strace $0x8000004F  }
0xb3: {  	_ =	swait.ge [sflag:s29], $0x1  }
0xb4: {  	[sflag:s29] =	ssyncadd.s32 $0xFFFFFFFF  }
0xb5: {  	_ =	strace $0x9000004F  }
0xb6: {  	_ =	sfence  }
0xb7: {  	s30 =	sld [smem:$0x0];
	_ =	sdelay $0x2  }
0xb8: {  	s31 =	sshll.u32 s1, $0xD;
	s1 =	sshrl.u32 s1, $0x2  }
0xb9: {  	s3 =	sand.u32 $0x4000, s31;
	s1 =	sadd.s32 s1, s30  }
0xba: {  	s0 =	sor.u32 s3, s0;
	s1 =	sshll.u32 s1, $0x11  }
0xbb: {  	s0 =	sor.u32 s1, s0  }
0xbc: {  	s0 =	sadd.s32 $0x8F2B, s0  }
0xbd: {  	[sflag:s0] =	ssyncadd.remote.s32 $0x1  }
0xbe: {  	_ =	sfence.sel $0xFFFF  }
0xbf: {  	[dreg:$0x0] =	wrdreg $0xFFFFFFFF;
	(pc) =	sbr.abs _section_cstart, $3  }
0xc0: {  	[dreg:$0x1] =	wrdreg $0xFFFFFFFF  }
0xc1: {  	_ =	task.clear_ibuf [dreg:s7], $0x2FFFF;
	_ =	strace $0x9FFFFFFF  }
0xc2: {  	(tm) =	ssettm $0x7FFFFFFF  }
0xc3: {  	_ =	shalt  }
tec
execute0_lowered:
.L_overlay_start_1:
0x0: {  	(tag) =	ssettag $0x1  }
0x1: {  	s1 =	rddreg [dreg:$0x0]  }
0x2: {  	s4 =	rddreg [dreg:$0x1];
	s2 =	srdreg.scid;
	s3 =	simm.s32 $0x0  }
0x3: {  	s9 =	simm.s32 $0x40;
	s10 =	simm.s32 $0x2;
	s11 =	simm.s32 $0x6  }
0x4: {  	s12 =	simm.s32 $0x0;
	s5 =	sand.u32 $0x1, s2;
	[smem:$0x7FF] =	sst s3  }
0x5: {  	s2 =	stileid.u32;
	s7 =	sadd.s32 $0xD400, s4;
	s6 =	sshll.u32 s5, $0x4  }
0x6: {  	s4 =	sadd.s32 $0xC00, s4;
	s5 =	ssub.s32 $0x2, s5;
	s6 =	sor.u32 s2, s6  }
0x7: {  	_ =	strace $0x80000047;
	s31 =	sshrl.u32 s5, $0x1;
	s8 =	smul.u32 $0x640, s6  }
0x8: {  	[dreg:$0x3] =	wrdreg s7;
	s7 =	ssub.s32 s5, s31;
	s5 =	smul.u32 $0x64, s6  }
0x9: {  	s7 =	smax.u32 s7, $0x1;
	s6 =	sadd.s32 s4, s8;
	s8 =	simm.s32 $0x1  }
.LBB2_1:
0xa: {  	_ =	strace $0x80000048;
	s13 =	simm.s32 $0x1;
	p0 =	por $0x0, $0x0  }
0xb: {  	[tilespmem:s3], [sflag:$0x3] =	stream.linear.gather [hbm4b:s6+s3], $0x80, $0x200038;
	[tilespmem:$0x10100] =	vst v63  }
0xc: {  	s13 =	simm.s32 @p0 $0x0  }
0xd: {  	p5 =	por $0x1, $0x1;
	p1 =	sne.s32 s13, $0x0  }
0xe: {  	p0 =	por !p5, !p1  }
0xf: {  	s20 =	sand.u32 $0x1, s3;
	s30 =	simm.s32 $0x0;
	p3 =	por !p0, !p0  }
0x10: {  	p4 =	por $0x0, $0x0;
	s19 =	sadd.s32 $0x0, s5;
	s14 =	sadd.s32 @p3 s5, s13  }
0x11: {  	_ =	strace $0x90000048;
	s15 =	sand.u32 @p3 $0x1, s8;
	s14 =	sshll.u32 @p3 s14, $0x4  }
0x12: {  	s16 =	simm.s32 @p3 $0x0;
	_ =	strace @p3 $0x80000049;
	s14 =	sand.u32 @p3 $0x1FFFFFF0, s14  }
0x13: {  	s17 =	sshll.u32 @p3 s15, $0x7;
	s15 =	sadd.s32 @p3 $0x3, s15;
	s14 =	sadd.s32 @p3 s4, s14  }
0x14: {  	[tilespmem:s17], [sflag:s15] =	stream.linear.gather @p3 [hbm4b:s14+s16], $0x80, $0x200038;
	[tilespmem:$0x10100] =	vst v63  }
0x15: {  	p6 =	por $0x1, $0x1;
	s28 =	simm.s32 $0x1;
	_ =	strace @p3 $0x90000049  }
0x16: {  	s26 =	sadd.s32 $0x3, s20;
	s31 =	sshll.u32 s20, $0xF;
	_ =	strace $0x8000004A  }
0x17: {  	s22 =	sor.u32 $0x100, s31;
	p5 =	por p4, p1;
	_ =	swait.ge [sflag:s26], $0x80  }
0x18: {  	p0 =	por $0x1, $0x1;
	s24 =	sshll.u32 @p5 s19, $0xC;
	[sflag:s26] =	ssyncset.done $0x0  }
0x19: {  	s28 =	simm.s32 @!p5 $0x0;
	s19 =	simm.s32 $0x0;
	[sflag:s26] =	ssyncadd.s32 $0xFFFFFF80  }
0x1a: {  	s18 =	sand.u32 @!p0 $0x1, s3;
	p2 =	por p0, p0;
	_ =	strace $0x9000004A  }
0x1b: {  	p0 =	por $0x0, $0x0;
	s17 =	sand.u32 $0x80, s30;
	_ =	strace $0x8000004B  }
0x1c: {  	[tilespmem:s22], [sflag:$0x1] =	stream.indirect.gather [hbm4b:s1+s9], $0x100, s17, s9, $0x2000b8;
	[tilespmem:$0x10100] =	vst v63  }
0x1d: {  	s23 =	sadd.s32 @!p2 $0x5, s18;
	s15 =	sor.u32 $0x4100, s31;
	s17 =	sor.u32 $0x40, s17  }
0x1e: {  	[tilespmem:s15], [sflag:$0x2] =	stream.indirect.gather [hbm4b:s1+s9], $0x100, s17, s9, $0x2000b8;
	[tilespmem:$0x10100] =	vst v63  }
0x1f: {  	s18 =	sadd.s32 $0x1, s13;
	s14 =	simm.s32 $0x63;
	_ =	swait.ge [sflag:s8], $0x4000  }
0x20: {  	s17 =	simm.s32 $0x1;
	s15 =	simm.s32 $0x1;
	[sflag:s8] =	ssyncset.done $0x0  }
0x21: {  	s17 =	simm.s32 @!p3 $0x0;
	p3 =	por $0x0, $0x0;
	[sflag:s8] =	ssyncadd.s32 $0xFFFFC000  }
0x22: {  	s15 =	simm.s32 @!p3 $0x0;
	p3 =	seq.s32 s18, $0x64;
	_ =	swait.ge [sflag:s10], $0x4000  }
0x23: {  	s16 =	simm.s32 $0x62;
	s18 =	simm.s32 @p3 $0x0;
	[sflag:s10] =	ssyncset.done $0x0  }
0x24: {  	s21 =	sadd.s32 $0x1, s17;
	p1 =	sne.s32 s13, s18;
	[sflag:s10] =	ssyncadd.s32 $0xFFFFC000  }
0x25: {  	s17 =	simm.s32 $0x0;
	p3 =	por !p6, !p1;
	_ =	strace $0x9000004B  }
0x26: {  	s15 =	sadd.s32 $0x0, s15;
	p3 =	por !p3, !p3;
	_ =	strace @p5 $0x8000004C  }
0x27: {  	s26 =	sand.u32 @p3 $0x1, s21;
	s25 =	sadd.s32 @p3 s5, s18;
	s29 =	rddreg [dreg:$0x3]  }
.LBB2_2:
0x28: {  	s30 =	sshll.u32 @p3 s25, $0x4;
	s31 =	sand.u32 @p5 $0x1FFFF000, s24  }
0x29: {  	s25 =	smov.u32 s13;
	s20 =	sadd.s32 @p5 $0x5, s20;
	s13 =	sand.u32 @p3 $0x1FFFFFF0, s30  }
0x2a: {  	s30 =	simm.s32 @p5 $0x0;
	s0 =	sadd.s32 @p3 s4, s13;
	s13 =	sadd.s32 @p5 s29, s31  }
0x2b: {  	[hbm4b:s13+s30] =	stream.linear.scatter @p5 [tilespmem:s22], [sflag:s20], $0x8000, $0x200038;
	[tilespmem:$0x10100] =	vst v63  }
0x2c: {  	_ =	strace @p5 $0x9000004C  }
0x2d: {  	s17 =	sadd.s32 s28, s17;
	_ =	strace @!p2 $0x8000004D  }
0x2e: {  	s24 =	smov.u32 s14;
	s14 =	smov.u32 s16;
	_ =	swait.ge @!p2 [sflag:s23], $0x8000  }
0x2f: {  	s19 =	sadd.s32 s28, s19;
	s16 =	sadd.s32 $0xFFFFFFFF, s16;
	[sflag:s23] =	ssyncset.done @!p2 $0x0  }
0x30: {  	s28 =	sshll.u32 s19, $0x7;
	p4 =	sne.s32 s16, $0x0;
	[sflag:s23] =	ssyncadd.s32 @!p2 $0xFFFF8000  }
0x31: {  	p6 =	seq.s32 s24, $0x1;
	s22 =	simm.s32 @p3 $0x0;
	_ =	strace @!p2 $0x9000004D  }
0x32: {  	s23 =	sshll.u32 @p3 s26, $0x7;
	s26 =	sadd.s32 @p3 $0x3, s26;
	_ =	strace @p3 $0x80000049  }
0x33: {  	[tilespmem:s23], [sflag:s26] =	stream.linear.gather @p3 [hbm4b:s0+s22], $0x80, $0x200038;
	[tilespmem:$0x10100] =	vst v63  }
0x34: {  	s25 =	sadd.s32 s5, s25;
	s31 =	sand.u32 $0x1, s19;
	_ =	strace @p3 $0x90000049  }
0x35: {  	s29 =	sand.u32 @!p0 $0x1, s15;
	s26 =	sadd.s32 $0x3, s31;
	_ =	strace $0x8000004A  }
0x36: {  	s13 =	smov.u32 s18;
	s20 =	sand.u32 $0x1, s17;
	_ =	swait.ge [sflag:s26], $0x80  }
0x37: {  	s18 =	sadd.s32 $0x1, s18;
	s30 =	sshll.u32 s20, $0xF;
	[sflag:s26] =	ssyncset.done $0x0  }
0x38: {  	p5 =	por p6, p1;
	p6 =	sne.s32 s14, $0x1;
	[sflag:s26] =	ssyncadd.s32 $0xFFFFFF80  }
0x39: {  	p2 =	por p0, p0;
	p0 =	seq.s32 s14, $0x64;
	_ =	strace $0x9000004A  }
0x3a: {  	s22 =	sor.u32 $0x100, s30;
	s31 =	sand.u32 $0x80, s28;
	_ =	strace $0x8000004B  }
0x3b: {  	[tilespmem:s22], [sflag:$0x1] =	stream.indirect.gather [hbm4b:s1+s9], $0x100, s31, s9, $0x2000b8;
	[tilespmem:$0x10100] =	vst v63  }
0x3c: {  	s0 =	sor.u32 $0x4100, s30;
	s28 =	simm.s32 $0x1;
	s23 =	sor.u32 $0x40, s31  }
0x3d: {  	[tilespmem:s0], [sflag:$0x2] =	stream.indirect.gather [hbm4b:s1+s9], $0x100, s23, s9, $0x2000b8;
	[tilespmem:$0x10100] =	vst v63  }
0x3e: {  	s28 =	simm.s32 @!p5 $0x0;
	s0 =	simm.s32 $0x1;
	_ =	swait.ge [sflag:s8], $0x4000  }
0x3f: {  	s23 =	sadd.s32 @!p2 $0x5, s29;
	s0 =	simm.s32 @!p3 $0x0;
	[sflag:s8] =	ssyncset.done $0x0  }
0x40: {  	p3 =	sne.s32 s24, $0x64;
	s24 =	simm.s32 $0x1;
	[sflag:s8] =	ssyncadd.s32 $0xFFFFC000  }
0x41: {  	s24 =	simm.s32 @!p3 $0x0;
	p3 =	seq.s32 s18, $0x64;
	_ =	swait.ge [sflag:s10], $0x4000  }
.Ltmp0:
0x42: {  	s18 =	simm.s32 @p3 $0x0;
	[sflag:s10] =	ssyncset.done $0x0;
	(pc) =	sbr.rel @p4 .LBB2_2-.Ltmp0, $4  }
0x43: {  	s21 =	sadd.s32 s0, s21;
	p1 =	sne.s32 s13, s18;
	[sflag:s10] =	ssyncadd.s32 $0xFFFFC000  }
0x44: {  	s15 =	sadd.s32 s24, s15;
	p3 =	por !p6, !p1;
	_ =	strace $0x9000004B  }
0x45: {  	s24 =	sshll.u32 @p5 s25, $0xC;
	p3 =	por !p3, !p3;
	_ =	strace @p5 $0x8000004C  }
0x46: {  	s26 =	sand.u32 @p3 $0x1, s21;
	s25 =	sadd.s32 @p3 s5, s18;
	s29 =	rddreg [dreg:$0x3]  }
0x47: {  	s0 =	sand.u32 @p5 $0x1FFFF000, s24  }
0x48: {  	s16 =	sadd.s32 @p5 $0x5, s20;
	s18 =	simm.s32 @p5 $0x0;
	s0 =	sadd.s32 @p5 s29, s0  }
0x49: {  	[hbm4b:s0+s18] =	stream.linear.scatter @p5 [tilespmem:s22], [sflag:s16], $0x8000, $0x200038;
	[tilespmem:$0x10100] =	vst v63  }
0x4a: {  	_ =	strace @p5 $0x9000004C  }
0x4b: {  	_ =	strace @!p2 $0x8000004D  }
0x4c: {  	_ =	swait.ge @!p2 [sflag:s23], $0x8000  }
0x4d: {  	s30 =	sadd.s32 s28, s19;
	[sflag:s23] =	ssyncset.done @!p2 $0x0  }
0x4e: {  	s19 =	sshll.u32 @p3 s26, $0x7;
	s0 =	sshll.u32 @p3 s25, $0x4;
	[sflag:s23] =	ssyncadd.s32 @!p2 $0xFFFF8000  }
0x4f: {  	s20 =	sadd.s32 @p3 $0x3, s26;
	s0 =	sand.u32 @p3 $0x1FFFFFF0, s0;
	_ =	strace @!p2 $0x9000004D  }
0x50: {  	s18 =	simm.s32 @p3 $0x0;
	s0 =	sadd.s32 @p3 s4, s0;
	_ =	strace @p3 $0x80000049  }
0x51: {  	[tilespmem:s19], [sflag:s20] =	stream.linear.gather @p3 [hbm4b:s0+s18], $0x80, $0x200038;
	[tilespmem:$0x10100] =	vst v63  }
0x52: {  	s31 =	sand.u32 $0x1, s30;
	_ =	strace @p3 $0x90000049  }
0x53: {  	s0 =	sadd.s32 $0x3, s31;
	_ =	strace $0x8000004A  }
0x54: {  	_ =	swait.ge [sflag:s0], $0x80  }
0x55: {  	s17 =	sadd.s32 s28, s17;
	[sflag:s0] =	ssyncset.done $0x0  }
0x56: {  	[sflag:s0] =	ssyncadd.s32 $0xFFFFFF80;
	s0 =	sand.u32 $0x1, s17  }
0x57: {  	s16 =	sshll.u32 s30, $0x7;
	_ =	strace $0x9000004A;
	s17 =	sshll.u32 s0, $0xF  }
0x58: {  	s16 =	sand.u32 $0x80, s16;
	_ =	strace $0x8000004B;
	s18 =	sor.u32 $0x100, s17  }
0x59: {  	[tilespmem:s18], [sflag:$0x1] =	stream.indirect.gather [hbm4b:s1+s9], $0x100, s16, s9, $0x2000b8;
	[tilespmem:$0x10100] =	vst v63  }
0x5a: {  	s17 =	sor.u32 $0x4100, s17;
	s16 =	sor.u32 $0x40, s16  }
0x5b: {  	[tilespmem:s17], [sflag:$0x2] =	stream.indirect.gather [hbm4b:s1+s9], $0x100, s16, s9, $0x2000b8;
	[tilespmem:$0x10100] =	vst v63  }
0x5c: {  	_ =	swait.ge [sflag:s8], $0x4000  }
0x5d: {  	[sflag:s8] =	ssyncset.done $0x0  }
0x5e: {  	[sflag:s8] =	ssyncadd.s32 $0xFFFFC000  }
0x5f: {  	_ =	swait.ge [sflag:s10], $0x4000  }
0x60: {  	[sflag:s10] =	ssyncset.done $0x0  }
0x61: {  	p6 =	seq.s32 s14, $0x1;
	[sflag:s10] =	ssyncadd.s32 $0xFFFFC000  }
0x62: {  	s13 =	sadd.s32 s5, s13;
	p1 =	por p6, p1;
	_ =	strace $0x9000004B  }
0x63: {  	s13 =	sshll.u32 @p1 s13, $0xC;
	_ =	strace @p1 $0x8000004C  }
0x64: {  	s13 =	sand.u32 @p1 $0x1FFFF000, s13;
	s14 =	rddreg [dreg:$0x3]  }
0x65: {  	s0 =	sadd.s32 @p1 $0x5, s0;
	s16 =	simm.s32 @p1 $0x0;
	s13 =	sadd.s32 @p1 s14, s13  }
0x66: {  	[hbm4b:s13+s16] =	stream.linear.scatter @p1 [tilespmem:s18], [sflag:s0], $0x8000, $0x200038;
	[tilespmem:$0x10100] =	vst v63  }
0x67: {  	s0 =	sand.u32 @!p0 $0x1, s15;
	p0 =	por p0, p0;
	_ =	strace @p1 $0x9000004C  }
0x68: {  	s0 =	sadd.s32 @!p0 $0x5, s0;
	_ =	strace @!p0 $0x8000004D  }
0x69: {  	_ =	swait.ge @!p0 [sflag:s0], $0x8000  }
0x6a: {  	[sflag:s0] =	ssyncset.done @!p0 $0x0  }
0x6b: {  	s12 =	sadd.s32 $0x1, s12;
	[sflag:s0] =	ssyncadd.s32 @!p0 $0xFFFF8000  }
0x6c: {  	_ =	strace @!p0 $0x9000004D;
	p0 =	sne.s32 s12, s7  }
.Ltmp1:
0x6d: {  	_ =	strace $0x8000004E;
	(pc) =	sbr.rel @p0 .LBB2_1-.Ltmp1, $4  }
0x6e: {  	_ =	swait.ge [sflag:s11], $0x8000  }
0x6f: {  	[sflag:s11] =	ssyncset.done $0x0  }
0x70: {  	[sflag:s11] =	ssyncadd.s32 $0xFFFF8000  }
0x71: {  	_ =	strace $0x9000004E  }
0x72: {  	_ =	sfence.sel $0x180000  }
0x73: {  	[bflag:$0x0] =	sbarrier.arrive $0xFFFF  }
0x74: {  	_ =	strace $0x90000047  }
0x75: {  	[bflag:$0x2] =	sbarrier.arrive $0xFFFF  }
0x76: {  	p0 =	sne.s32 s2, $0x0;
	s0 =	rddreg [dreg:$0x2]  }
0x77: {  	s0 =	sadd.s32 @!p0 $0x100000, s0  }
0x78: {  	[sflag:s0] =	ssyncadd.tile.s32 @!p0 $0x1;
	_ =	shalt  }
.Lfunc_end2:
_tile_overlayer_lowered:
.L_overlay_start_2:
0x79: {  	(tag) =	ssettag $0x2  }
0x7a: {  	s0 =	rddreg [dreg:$0x0];
	s2 =	stileid.u32  }
0x7b: {  	s1 =	rddreg [dreg:$0x1];
	p0 =	sne.s32 s2, $0x0  }
0x7c: {  	s3 =	rddreg [dreg:$0x2];
	[bflag:$0x3] =	sbarrier.arrive $0xFFFF;
	s2 =	simm.s32 @!p0 $0x1C03  }
0x7d: {  	[timem:s3], [sflag:s2] =	dma.local @!p0 [hbm:s0], s1  }
0x7e: {  	s0 =	simm.s32 @!p0 $0x3  }
0x7f: {  	_ =	swait.ge @!p0 [sflag:s0], s1  }
0x80: {  	s1 =	ssub.s32 @!p0 $0x0, s1;
	[sflag:s0] =	ssyncset.done @!p0 $0x0  }
0x81: {  	[sflag:s0] =	ssyncadd.s32 @!p0 s1  }
0x82: {  	[bflag:$0x3] =	sbarrier.arrive $0xFFFF  }
0x83: {  	_ =	shalt  }

// kernel: sparse-core-data-format-call.cloned.1.call-start
scs
called_computation_lowered:
.L_overlay_start_0:
0x0: {  	s2 =	sld [smem:$0x3FD9]  }
0x1: {  	s3 =	sld [smem:$0x3FFE];
	_ =	sdelay $0x1  }
0x2: {  	s1 =	srdreg.scid  }
0x3: {  	s0 =	sand.u32 $0x1, s1  }
0x4: {  	s18 =	sshll.u32 s0, $0xA;
	s2 =	sadd.s32 s3, s2  }
0x5: {  	s2 =	sadd.s32 s2, s18  }
0x6: {  	[smem:$0x3FC6] =	sst s2  }
0x7: {  	_ = 	snop  }
0x8: {  	s2 =	sld [smem:$0x3FD0];
	(tm) =	ssettm $0x1  }
0x9: {  	s19 =	sld [smem:$0x3FFB];
	_ =	sdelay $0x3  }
0xa: {  	_ =	strace s19  }
0xb: {  	s3 =	sld [smem:$0x3FFC];
	_ =	sdelay $0x3  }
0xc: {  	_ =	strace s3  }
0xd: {  	s3 =	sld [smem:$0x3FFD];
	_ =	sdelay $0x3  }
0xe: {  	_ =	strace s3  }
0xf: {  	_ =	strace $0x8FFFFFFF  }
0x10: {  	s20 =	sld [smem:$0x3FDB];
	_ =	sdelay $0x1  }
0x11: {  	s4 =	simm.s32 $_scs_section_size  }
0x12: {  	s5 =	simm.s32 $_size__tile_overlayer_lowered;
	s6 =	simm.s32 $_tile_overlayer_lowered  }
0x13: {  	s23 =	simm.s32 $0x1BFF;
	s22 =	sshll.u32 s6, $0x1;
	s3 =	sadd.s32 s4, s20  }
0x14: {  	s7 =	simm.s32 $0x0;
	s21 =	sshll.u32 s5, $0x1;
	s5 =	sadd.s32 s22, s3  }
0x15: {  	[timem:s7], [sflag:s23] =	dma.local [hbm:s5], s21  }
0x16: {  	_ =	swait.ge [sflag:s23], s21  }
0x17: {  	s4 =	ssub.s32 $0x0, s21;
	[sflag:s23] =	ssyncset.done $0x0  }
0x18: {  	[sflag:s23] =	ssyncadd.s32 s4;
	_ =	sdelay $0x1  }
0x19: {  	s24 =	simm.s32 $0x1B8B  }
0x1a: {  	_ =	swait.ge [sflag:s24], $0x1  }
0x1b: {  	[sflag:s24] =	ssyncset.done $0x0  }
0x1c: {  	s26 =	simm.s32 $0x1B8E;
	s25 =	sld [smem:$0x3FFE];
	[sflag:s24] =	ssyncadd.s32 $0xFFFFFFFF  }
0x1d: {  	s27 =	simm.s32 $execute0_lowered;
	[smem:$0x3FD2] =	sst s26  }
0x1e: {  	s5 =	sshll.u32 s27, $0x1;
	_ =	strace $0x80000050;
	[dreg:$0x1] =	wrdreg $0xFFFFFFFF  }
0x1f: {  	s28 =	simm.s32 $_size_execute0_lowered;
	s3 =	sadd.s32 s3, s5;
	[dreg:$0x0] =	wrdreg $0x0  }
0x20: {  	s5 =	sshll.u32 s28, $0x1;
	[dreg:$0x2] =	wrdreg s3  }
0x21: {  	[dreg:$0x3] =	wrdreg s5  }
0x22: {  	[dreg:$0x4] =	wrdreg $0xC0  }
0x23: {  	_ =	task [dreg:s7], $0x5FFFF  }
0x24: {  	[dreg:$0x1] =	wrdreg $0xFFFFFFFF  }
0x25: {  	[dreg:$0x0] =	wrdreg $0x60  }
0x26: {  	[dreg:$0x2] =	wrdreg s25  }
0x27: {  	[dreg:$0x3] =	wrdreg s2  }
0x28: {  	[dreg:$0x4] =	wrdreg $0x9  }
0x29: {  	_ =	task.clear_ibuf [dreg:s7], $0x5FFFF;
	_ =	strace $0x90000050  }
0x2a: {  	s29 =	simm.s32 $0x9;
	_ =	strace $0x80000052  }
0x2b: {  	_ =	swait.ge [sflag:s29], $0x1  }
0x2c: {  	[sflag:s29] =	ssyncadd.s32 $0xFFFFFFFF  }
0x2d: {  	_ =	strace $0x90000052  }
0x2e: {  	_ =	sfence  }
0x2f: {  	s30 =	sld [smem:$0x0];
	_ =	sdelay $0x2  }
0x30: {  	s31 =	sshll.u32 s1, $0xD;
	s1 =	sshrl.u32 s1, $0x2  }
0x31: {  	s3 =	sand.u32 $0x4000, s31;
	s1 =	sadd.s32 s1, s30  }
0x32: {  	s0 =	sor.u32 s3, s0;
	s1 =	sshll.u32 s1, $0x11  }
0x33: {  	s0 =	sor.u32 s1, s0  }
0x34: {  	s0 =	sadd.s32 $0x8F2B, s0  }
0x35: {  	[sflag:s0] =	ssyncadd.remote.s32 $0x1  }
0x36: {  	_ =	sfence.sel $0xFFFF  }
0x37: {  	[dreg:$0x0] =	wrdreg $0xFFFFFFFF;
	(pc) =	sbr.abs _section_cstart, $3  }
0x38: {  	[dreg:$0x1] =	wrdreg $0xFFFFFFFF  }
0x39: {  	_ =	task.clear_ibuf [dreg:s7], $0x2FFFF;
	_ =	strace $0x9FFFFFFF  }
0x3a: {  	(tm) =	ssettm $0x7FFFFFFF  }
0x3b: {  	_ =	shalt  }
tec
execute0_lowered:
.L_overlay_start_1:
0x0: {  	(tag) =	ssettag $0x1  }
0x1: {  	s0 =	srdreg.scid  }
0x2: {  	s1 =	sshll.u32 s0, $0x4  }
0x3: {  	s0 =	stileid.u32;
	s1 =	sand.u32 $0x10, s1  }
0x4: {  	s1 =	sor.u32 s0, s1  }
0x5: {  	s6 =	rddreg [dreg:$0x0];
	s4 =	simm.s32 $0x1;
	s2 =	sshll.u32 s1, $0x7  }
0x6: {  	s7 =	simm.s32 $0x2;
	s12 =	simm.s32 $0x0;
	s1 =	ssub.s32 $0x1000, s2  }
0x7: {  	s8 =	simm.s32 $0x8000;
	s13 =	simm.s32 $0x0;
	s3 =	sand.u32 $0xF80, s1  }
0x8: {  	s9 =	simm.s32 $0x0;
	s5 =	sshrl.u32 s1, $0xC;
	p0 =	sne.s32 s3, $0x0  }
.Ltmp0:
0x9: {  	s1 =	rddreg [dreg:$0x2];
	s4 =	simm.s32 @!p0 $0x0;
	(pc) =	sbr.rel .LBB1_1-.Ltmp0, $4  }
0xa: {  	s11 =	simm.s32 $0x0;
	s3 =	rddreg [dreg:$0x1];
	s5 =	sadd.s32 s4, s5  }
0xb: {  	_ =	strace $0x80000051;
	s4 =	simm.s32 $0x1;
	s5 =	smul.u32 $0xC8, s5  }
0xc: {  	s6 =	sadd.s32 $0xD400, s6;
	s10 =	smov.u32 s2;
	[sflag:s4] =	ssyncpa.u1 $0x0  }
0xd: {  	p0 =	por $0x0, $0x0;
	[sflag:s7] =	ssyncpa.u1 $0x0;
	s7 =	sor.u32 $0x1, s5  }
.LBB1_4:
0xe: {  	s16 =	sshll.u32 s13, $0x3;
	s17 =	sand.u32 $0x78, s13  }
0xf: {  	s30 =	sand.u32 $0x7E00, s13;
	s12 =	sshll.u32 s12, $0xF;
	s16 =	sand.u32 $0xC00, s16  }
0x10: {  	[tilespmem:s15+$0x810 ss:$0x81] =	vst.msk $0xffff, v2;
	s31 =	sand.u32 $0x7, s13;
	s16 =	sor.u32 s17, s16;
	s17 =	sadd.s32 s3, s30  }
0x11: {  	[tilespmem:s15+$0x1020 ss:$0x81] =	vst.msk $0xffff, v0;
	s13 =	sshll.u32 s31, $0x12;
	s12 =	sadd.s32 s12, s17;
	s16 =	sshrl.u32 s16, $0x3  }
0x12: {  	[tilespmem:s15+$0x0 ss:$0x81] =	vst.msk $0xffff, v1;
	s13 =	sor.u32 $0x400, s13;
	s12 =	sadd.s32 s16, s12  }
0x13: {  	[hbm4b:s12+s13] =	stream.strided.scatter [tilespmem:s14], [sflag:$0x2], $0x2000, s8, s13, $0x20;
	[tilespmem:$0x8080] =	vst v63  }
.LBB1_5:
0x14: {  	s14 =	sadd.s32 $0x1, s9  }
0x15: {  	s12 =	sadd.s32 $0x1000, s10;
	s16 =	smov.u32 s10;
	p2 =	sgt.s32 s14, $0xC7  }
0x16: {  	s16 =	smov.u32 @p2 s12  }
0x17: {  	s14 =	simm.s32 @p2 $0x0;
	p2 =	sgt.s32 s16, $0xFFF  }
0x18: {  	s16 =	smov.u32 @p2 s2;
	p2 =	sne.s32 s11, s7  }
.Ltmp1:
0x19: {  	p1 =	slt.u32 s11, $0x2;
	(pc) =	sbr.rel @!p2 .LBB1_6-.Ltmp1, $4  }
0x1a: {  	s15 =	simm.s32 @!p1 $0x2  }
0x1b: {  	s13 =	smov.u32 s10;
	p0 =	por !p0, !p0;
	_ =	swait.ge @!p1 [sflag:s15], $0x2000  }
0x1c: {  	s12 =	smov.u32 s9;
	[sflag:s15] =	ssyncset.done @!p1 $0x0;
	s9 =	smov.u32 s14  }
0x1d: {  	s11 =	sadd.s32 $0x1, s11;
	[sflag:s15] =	ssyncadd.s32 @!p1 $0xFFFFE000;
	s10 =	smov.u32 s16  }
.LBB1_1:
0x1e: {  	p1 =	sge.u32 s11, s5  }
0x1f: {  	s14 =	sand.u32 @!p1 $0x1FFFFFF, s9  }
0x20: {  	s15 =	smulhi.u32 @!p1 $0x147AE15, s14;
	_ =	sdelay $0x1  }
0x21: {  	s15 =	smul.u32 @!p1 $0xC8, s15  }
0x22: {  	s16 =	sxor.u32 @!p1 $0xFFFFFFFF, s11;
	s17 =	smul.u32 @!p1 $0xC80, s10  }
0x23: {  	s31 =	sadd.s32 $0xFFFFFFFF, s11;
	s16 =	sshll.u32 @!p1 s16, $0xD;
	s14 =	ssub.s32 @!p1 s14, s15  }
0x24: {  	s15 =	sand.u32 @!p1 $0x2000, s16;
	s16 =	sadd.s32 @!p1 s6, s17;
	s14 =	sshll.u32 @!p1 s14, $0x4  }
0x25: {  	s17 =	simm.s32 @!p1 $0x6400;
	s14 =	sadd.s32 @!p1 s14, s16;
	s16 =	simm.s32 @!p1 $0x40  }
0x26: {  	[tilespmem:s15], [sflag:$0x1] =	stream.strided.gather @!p1 [hbm4b:s14+s16], $0x2000, s17, s16, $0x38;
	[tilespmem:$0x8080] =	vst v63  }
0x27: {  	p1 =	sge.u32 s31, s5  }
.Ltmp2:
0x28: {  	_ = 	snop;
	(pc) =	sbr.rel @p1 .LBB1_5-.Ltmp2, $1  }
0x29: {  	_ =	sdelay $0x3  }
0x2a: {  	s14 =	simm.s32 $0x1  }
0x2b: {  	_ =	swait.ge [sflag:s4], $0x2000;
	s14 =	simm.s32 @!p0 $0x0  }
0x2c: {  	[sflag:s4] =	ssyncset.done $0x0;
	s15 =	sshll.u32 s14, $0xD  }
0x2d: {  	[sflag:s4] =	ssyncadd.s32 $0xFFFFE000;
	s18 =	sor.u32 $0x20, s15  }
0x2e: {  	s14 =	smul.u32 $0x8100, s14;
	v3 =	vld [tilespmem:s18+$0x10]  }
0x2f: {  	s30 =	sand.u32 $0x1, s11;
	v2 =	vld [tilespmem:s18+$0xFFFFFFF0]  }
0x30: {  	s15 =	smul.u32 $0x8100, s30;
	s14 =	sshrl.u32 s14, $0x2;
	v0 =	vld [tilespmem:s18+$0x0]  }
0x31: {  	v1 =	vld [tilespmem:s18+$0xFFFFFFE0];
	s16 =	sor.u32 $0x4000, s14  }
0x32: {  	s31 =	sshrl.u32 s15, $0x2;
	s15 =	sadd.s32 $0x0, s16  }
0x33: {  	s17 =	simm.s32 $0x4;
	s18 =	sadd.s32 $0x40, s18;
	s14 =	sor.u32 $0x4000, s31;
	[tilespmem:s15+$0x1830 ss:$0x81] =	vst.msk $0xffff, v3  }
.LBB1_3:
0x34: {  	v3 =	vld [tilespmem:s18+$0x10];
	p1 =	sne.s32 s17, $0x1FC;
	[tilespmem:s15+$0x810 ss:$0x81] =	vst.msk $0xffff, v2;
	s19 =	smov.u32 s17;
	s17 =	sadd.s32 $0x4, s17  }
.Ltmp3:
0x35: {  	v2 =	vld [tilespmem:s18+$0xFFFFFFF0];
	[tilespmem:s15+$0x1020 ss:$0x81] =	vst.msk $0xffff, v0;
	(pc) =	sbr.rel @p1 .LBB1_3-.Ltmp3, $4  }
0x36: {  	v0 =	vld [tilespmem:s18+$0x0];
	[tilespmem:s15+$0x0 ss:$0x81] =	vst.msk $0xffff, v1  }
0x37: {  	s15 =	sshra.s32 s19, $0x2;
	v1 =	vld [tilespmem:s18+$0xFFFFFFE0]  }
0x38: {  	s15 =	sadd.s32 s15, s16  }
0x39: {  	s18 =	sadd.s32 $0x40, s18;
	[tilespmem:s15+$0x1830 ss:$0x81] =	vst.msk $0xffff, v3  }
.Ltmp4:
0x3a: {  	_ = 	snop;
	(pc) =	sbr.rel .LBB1_4-.Ltmp4, $1  }
0x3b: {  	_ =	sdelay $0x3  }
.LBB1_6:
0x3c: {  	_ =	sfence.sel $0x180000  }
0x3d: {  	s2 =	simm.s32 $0x1;
	[bflag:$0x0] =	sbarrier.arrive $0xFFFF  }
0x3e: {  	s31 =	simm.s32 $0x2;
	[sflag:s2] =	ssyncpa.u1 $0x1  }
0x3f: {  	[sflag:s31] =	ssyncpa.u1 $0x1  }
0x40: {  	p0 =	sne.s32 s0, $0x0;
	_ =	strace $0x90000051  }
0x41: {  	s0 =	sadd.s32 @!p0 $0x100000, s1;
	[bflag:$0x2] =	sbarrier.arrive $0xFFFF  }
0x42: {  	[sflag:s0] =	ssyncadd.tile.s32 @!p0 $0x1;
	_ =	shalt  }
.Lfunc_end1:
_tile_overlayer_lowered:
.L_overlay_start_2:
0x43: {  	(tag) =	ssettag $0x2  }
0x44: {  	s0 =	rddreg [dreg:$0x0];
	s2 =	stileid.u32  }
0x45: {  	s1 =	rddreg [dreg:$0x1];
	p0 =	sne.s32 s2, $0x0  }
0x46: {  	s3 =	rddreg [dreg:$0x2];
	[bflag:$0x3] =	sbarrier.arrive $0xFFFF;
	s2 =	simm.s32 @!p0 $0x1C01  }
0x47: {  	[timem:s3], [sflag:s2] =	dma.local @!p0 [hbm:s0], s1  }
0x48: {  	s0 =	simm.s32 @!p0 $0x1  }
0x49: {  	_ =	swait.ge @!p0 [sflag:s0], s1  }
0x4a: {  	s1 =	ssub.s32 @!p0 $0x0, s1;
	[sflag:s0] =	ssyncset.done @!p0 $0x0  }
0x4b: {  	[sflag:s0] =	ssyncadd.s32 @!p0 s1  }
0x4c: {  	[bflag:$0x3] =	sbarrier.arrive $0xFFFF  }
0x4d: {  	_ =	shalt  }

</sc_bundles>
